<compile_context>
chip_gen: v7x
topology: tpu7x:2x2x1
jax: 0.10.2.dev20260603
libtpu: 0.0.44.dev20260713+nightly
codegen_flags: <defaults>
</compile_context>

<pallas_src>
import functools

import jax
import jax.numpy as jnp
from jax import lax
from jax.experimental import pallas as pl
from jax.experimental.pallas import tpu as pltpu
from jax.experimental.pallas import tpu_sc as plsc

N = 10000
G = 64
K = 4
R = 256
C = 512
NB = 40
NPAD = NB * R
NCHUNK = 21
NCP = NCHUNK * C
BIGF = 3.0e38
PEN = 1.0e8


def _lex_ce(a, b):
    (da, ia), (db, ib) = a, b
    c = (db < da) | ((db == da) & (ib < ia))
    return ((jnp.where(c, db, da), jnp.where(c, ib, ia)),
            (jnp.where(c, da, db), jnp.where(c, ia, ib)))


def _val_ce(a, b):
    (da, ia), (db, ib) = a, b
    c = db < da
    return ((jnp.where(c, db, da), jnp.where(c, ib, ia)),
            (jnp.where(c, da, db), jnp.where(c, ia, ib)))


def _knn_body(c0_ref, nch_ref, posr_ref, post_ref, out_ref):
    r = pl.program_id(0)
    pr3 = posr_ref[:, 0:3]
    wr = posr_ref[:, 3:4]
    sqr = jnp.sum(pr3 * pr3, axis=1, keepdims=True)
    row_gid = (jnp.float32(r * R) +
               lax.broadcasted_iota(jnp.int32, (R, 1), 0).astype(jnp.float32))
    col_iota = lax.broadcasted_iota(jnp.int32, (R, C), 1).astype(jnp.float32)

    c0 = c0_ref[r]

    def chunk(i, carry):
        ck = c0 + i
        pcol = post_ref[ck]
        pc3 = pcol[0:3, :]
        wc = pcol[3:4, :]
        sqc = jnp.sum(pc3 * pc3, axis=0, keepdims=True)
        dot = lax.dot_general(pr3, pc3, (((1,), (0,)), ((), ())),
                              preferred_element_type=jnp.float32)
        d2 = sqr + sqc - 2.0 * dot
        dw = wr - wc
        d2 = d2 + dw * dw * PEN
        cg = (ck * C).astype(jnp.float32) + col_iota
        d2 = jnp.where(row_gid == cg, BIGF, d2)

        q = [(d2[:, j * (C // 4):(j + 1) * (C // 4)],
              cg[:, j * (C // 4):(j + 1) * (C // 4)]) for j in range(4)]
        q[0], q[1] = _val_ce(q[0], q[1])
        q[2], q[3] = _val_ce(q[2], q[3])
        q[0], q[2] = _val_ce(q[0], q[2])
        q[1], q[3] = _val_ce(q[1], q[3])
        q[1], q[2] = _lex_ce(q[1], q[2])
        (h0, j0), (h1, j1), (h2, j2), (h3, j3) = q

        b = []
        for _ in range(K):
            m = jnp.min(h0, axis=1, keepdims=True)
            sel = jnp.min(jnp.where(h0 == m, j0, BIGF), axis=1, keepdims=True)
            pm = j0 == sel
            h0, h1, h2, h3 = (jnp.where(pm, h1, h0), jnp.where(pm, h2, h1),
                              jnp.where(pm, h3, h2), jnp.where(pm, BIGF, h3))
            j0, j1, j2, j3 = (jnp.where(pm, j1, j0), jnp.where(pm, j2, j1),
                              jnp.where(pm, j3, j2), jnp.where(pm, BIGF, j3))
            b.append((m, sel))

        t = [_val_ce(carry[i2], b[3 - i2])[0] for i2 in range(4)]
        t[0], t[2] = _lex_ce(t[0], t[2])
        t[1], t[3] = _lex_ce(t[1], t[3])
        t[0], t[1] = _lex_ce(t[0], t[1])
        t[2], t[3] = _lex_ce(t[2], t[3])
        return tuple(t)

    init = tuple((jnp.full((R, 1), BIGF, jnp.float32),
                  jnp.full((R, 1), BIGF, jnp.float32)) for _ in range(K))
    res = lax.fori_loop(0, nch_ref[r], chunk, init)
    i4 = jnp.concatenate([p[1] for p in res], axis=1)
    out_ref[...] = jnp.clip(i4, 0.0, float(N - 1)).astype(jnp.int32)


def _knn(posr, post3, c0, nch):
    return pl.pallas_call(
        _knn_body,
        grid=(NB,),
        in_specs=[
            pl.BlockSpec(memory_space=pltpu.SMEM),
            pl.BlockSpec(memory_space=pltpu.SMEM),
            pl.BlockSpec((R, 8), lambda r: (r, 0)),
            pl.BlockSpec((NCHUNK, 8, C), lambda r: (0, 0, 0)),
        ],
        out_specs=pl.BlockSpec((R, K), lambda r: (r, 0)),
        out_shape=jax.ShapeDtypeStruct((NPAD, K), jnp.int32),
    )(c0, nch, posr, post3)



_E = K * NPAD
_DW = 8
_NW = 32
_BPW = _E // _NW
_XROWS = NPAD * _DW // 128


_JCH = _BPW // 128


def _gather_body(x16_hbm, idx3_hbm, out_hbm, idx_v, rows_v, sem):
    wid = lax.axis_index("s") * 2 + lax.axis_index("c")
    pltpu.sync_copy(idx3_hbm.at[wid], idx_v)
    copies = []
    for j in range(_JCH):
        copies.append(pltpu.async_copy(
            x16_hbm.at[idx_v.at[j]],
            rows_v.at[pl.ds(j * 128, 128)], sem))
    for cp in copies:
        cp.wait()
    pltpu.sync_copy(rows_v, out_hbm.at[pl.ds(wid * _BPW, _BPW)])


def _gather_xj(x16, idx3):
    mesh = plsc.VectorSubcoreMesh(core_axis_name="c", subcore_axis_name="s")
    f = pl.kernel(
        _gather_body,
        mesh=mesh,
        out_type=jax.ShapeDtypeStruct((_E, 2 * _DW), jnp.float32),
        scratch_types=[
            pltpu.VMEM((_JCH, 128), jnp.int32),
            pltpu.VMEM((_BPW, 2 * _DW), jnp.float32),
            pltpu.SemaphoreType.DMA,
        ],
        compiler_params=pltpu.CompilerParams(use_tc_tiling_on_sc=False),
    )
    return f(x16, idx3)



_RC = 512


def _conv_body(xi_ref, xj_ref, w1_ref, b1_ref, w2_ref, b2_ref,
               wn1_ref, bn1_ref, wn2_ref, bn2_ref, out_ref):
    xi5 = xi_ref[:, 0:5]
    w1a = w1_ref[0:5, :]
    w1b = w1_ref[5:10, :]
    u = jnp.dot(xi5, w1a - w1b, preferred_element_type=jnp.float32) + b1_ref[...]
    w2 = w2_ref[...]
    b2 = b2_ref[...]
    x_add = jnp.zeros((_RC, 32), jnp.float32)
    x_max = jnp.full((_RC, 32), -BIGF, jnp.float32)
    for t in range(K):
        xj5 = xj_ref[t][:, 0:5]
        hid = jax.nn.relu(u + jnp.dot(xj5, w1b,
                                      preferred_element_type=jnp.float32))
        m = jax.nn.relu(jnp.dot(hid, w2, preferred_element_type=jnp.float32)
                        + b2)
        x_add = x_add + m
        x_max = jnp.maximum(x_max, m)
    h = jax.nn.relu(jnp.concatenate([x_max, x_add * 0.25, x_add], axis=1))
    h = jax.nn.relu(jnp.dot(h, wn1_ref[...],
                            preferred_element_type=jnp.float32) + bn1_ref[...])
    out_ref[...] = (jnp.dot(h, wn2_ref[...], preferred_element_type=jnp.float32)
                    + bn2_ref[...])


def _conv(x16, xj4, W1, b1, W2, b2, Wn1, bn1, Wn2, bn2):
    full = lambda shape: pl.BlockSpec(shape, lambda r: tuple(0 for _ in shape))
    return pl.pallas_call(
        _conv_body,
        grid=(NPAD // _RC,),
        in_specs=[
            pl.BlockSpec((_RC, 2 * _DW), lambda r: (r, 0)),
            pl.BlockSpec((K, _RC, 2 * _DW), lambda r: (0, r, 0)),
            full((10, 16)), full((1, 16)),
            full((16, 32)), full((1, 32)),
            full((96, 64)), full((1, 64)),
            full((64, 32)), full((1, 32)),
        ],
        out_specs=pl.BlockSpec((_RC, 32), lambda r: (r, 0)),
        out_shape=jax.ShapeDtypeStruct((NPAD, 32), jnp.float32),
    )(x16, xj4, W1, b1, W2, b2, Wn1, bn1, Wn2, bn2)



_PB = 256
_NPB = NPAD // _PB


def _pool_body(st_ref, en_ref, h3_ref, wn3_ref, bn3_ref, wn4_ref, bn4_ref,
               out_ref):
    giota = lax.broadcasted_iota(jnp.int32, (G, 1), 0)
    riota = lax.broadcasted_iota(jnp.int32, (_PB, 1), 0)
    gacc = jnp.zeros((G, 128), jnp.float32)

    def group(g, gacc):
        st = st_ref[g]
        en = en_ref[g]
        b0 = st // _PB

        def chunk(i, carry):
            mx, mn, sm = carry
            blk = b0 + i
            hv = h3_ref[blk]
            rg = blk * _PB + riota
            ok = (rg >= st) & (rg < en)
            mx = jnp.maximum(mx, jnp.max(jnp.where(ok, hv, -BIGF), axis=0,
                                         keepdims=True))
            mn = jnp.minimum(mn, jnp.min(jnp.where(ok, hv, BIGF), axis=0,
                                         keepdims=True))
            sm = sm + jnp.sum(jnp.where(ok, hv, 0.0), axis=0, keepdims=True)
            return mx, mn, sm

        nchk = lax.select(en > st, (en - b0 * _PB + _PB - 1) // _PB, 0)
        mx0 = jnp.full((1, 32), -BIGF, jnp.float32)
        mn0 = jnp.full((1, 32), BIGF, jnp.float32)
        sm0 = jnp.zeros((1, 32), jnp.float32)
        mx, mn, sm = lax.fori_loop(0, nchk, chunk, (mx0, mn0, sm0))
        cnt = jnp.maximum((en - st).astype(jnp.float32), 1.0)
        grow = jnp.concatenate([mx, mn, sm, sm / cnt], axis=1)
        return jnp.where(giota == g, grow, gacc)

    gacc = lax.fori_loop(0, G, group, gacc)
    g0 = jax.nn.relu(gacc)
    g1 = jax.nn.relu(jnp.dot(g0, wn3_ref[...],
                             preferred_element_type=jnp.float32) + bn3_ref[...])
    out_ref[...] = (jnp.dot(g1, wn4_ref[...],
                            preferred_element_type=jnp.float32) + bn4_ref[...])


def _pool(starts, ends, h3, Wn3, bn3, Wn4, bn4):
    full = lambda shape: pl.BlockSpec(shape, lambda: tuple(0 for _ in shape))
    return pl.pallas_call(
        _pool_body,
        in_specs=[
            pl.BlockSpec(memory_space=pltpu.SMEM),
            pl.BlockSpec(memory_space=pltpu.SMEM),
            full((_NPB, _PB, 32)),
            full((128, 16)), full((1, 16)),
            full((16, 1)), full((1, 1)),
        ],
        out_specs=full((G, 1)),
        out_shape=jax.ShapeDtypeStruct((G, 1), jnp.float32),
    )(starts, ends, h3, Wn3, bn3, Wn4, bn4)


def kernel(x, edge_index, batch, W1, b1, W2, b2, Wn1, bn1, Wn2, bn2,
           Wn3, bn3, Wn4, bn4):
    del edge_index
    batchf = batch.astype(jnp.float32)

    posr = jnp.zeros((NPAD, 8), jnp.float32)
    posr = posr.at[:N, 0:3].set(x[:, :3])
    posr = posr.at[:, 3].set(jnp.pad(batchf, (0, NPAD - N),
                                     constant_values=2000.0))
    post = jnp.zeros((8, NCP), jnp.float32)
    post = post.at[0:3, :N].set(x[:, :3].T)
    post = post.at[3, :].set(jnp.pad(batchf, (0, NCP - N),
                                     constant_values=1000.0))
    post3 = post.reshape(8, NCHUNK, C).transpose(1, 0, 2)

    gstarts = jnp.searchsorted(batch, jnp.arange(G), side="left").astype(jnp.int32)
    gends = jnp.searchsorted(batch, jnp.arange(G) + 1, side="left").astype(jnp.int32)
    rlo = batch[jnp.minimum(jnp.arange(NB) * R, N - 1)]
    rhi = batch[jnp.minimum(jnp.arange(NB) * R + R - 1, N - 1)]
    cstart = gstarts[rlo]
    cend = gends[rhi]
    c0 = (cstart // C).astype(jnp.int32)
    nch = ((cend - c0 * C + C - 1) // C).astype(jnp.int32)

    nbr = _knn(posr, post3, c0, nch)

    x16 = jnp.zeros((NPAD, 2 * _DW), jnp.float32).at[:N, 0:5].set(x)
    idx3 = nbr.T.reshape(_NW, _JCH, 128)
    xj = _gather_xj(x16, idx3)
    xj4 = xj.reshape(K, NPAD, 2 * _DW)

    h2 = _conv(x16, xj4, W1, b1.reshape(1, 16), W2, b2.reshape(1, 32),
               Wn1, bn1.reshape(1, 64), Wn2, bn2.reshape(1, 32))

    h3 = h2.reshape(_NPB, _PB, 32)
    return _pool(gstarts, gends, h3, Wn3, bn3.reshape(1, 16),
                 Wn4, bn4.reshape(1, 1))

# --- scband reference (transcript-rebuilt; emitter-appended) ---
"""Pipeline reference for scband-net-14336600834594 (READ-ONLY COPY).

The authoritative reference and input builder live on the scoring server;
editing this copy changes nothing except your own understanding.
"""

import jax, jax.numpy as jnp
import numpy as np


def _knn_edges(pos, batch, k=4, chunk=1000):
    N = pos.shape[0]
    sq = jnp.sum(pos * pos, axis=1)
    nbrs = []
    for s in range(0, N, chunk):
        pc = pos[s:s + chunk]
        bc = batch[s:s + chunk]
        d2 = jnp.sum(pc * pc, axis=1)[:, None] + sq[None, :] - 2.0 * (pc @ pos.T)
        same = bc[:, None] == batch[None, :]
        d2 = jnp.where(same, d2, jnp.inf)
        r = jnp.arange(pc.shape[0])
        d2 = d2.at[r, r + s].set(jnp.inf)
        _, idx = jax.lax.top_k(-d2, k)
        nbrs.append(idx)
    nbr = jnp.concatenate(nbrs, axis=0)
    src = nbr.reshape(-1)
    dst = jnp.repeat(jnp.arange(N), k)
    return src, dst


def setup_inputs(seed: int = 0):
    key = jax.random.key(seed)
    ks = jax.random.split(key, 16)
    N = 10000
    G = 64
    x = jax.random.normal(ks[0], (N, 5), dtype=jnp.float32)
    batch = jnp.sort(jax.random.randint(ks[1], (N,), 0, G))
    edge_index = jax.random.randint(ks[2], (2, 40000), 0, N)

    def lin(k, fi, fo):
        k1, k2 = jax.random.split(k)
        s = 1.0 / np.sqrt(fi)
        W = jax.random.uniform(k1, (fi, fo), minval=-s, maxval=s, dtype=jnp.float32)
        b = jax.random.uniform(k2, (fo,), minval=-s, maxval=s, dtype=jnp.float32)
        return W, b

    W1, b1 = lin(ks[3], 10, 16)
    W2, b2 = lin(ks[4], 16, 32)
    Wn1, bn1 = lin(ks[5], 96, 64)
    Wn2, bn2 = lin(ks[6], 64, 32)
    Wn3, bn3 = lin(ks[7], 128, 16)
    Wn4, bn4 = lin(ks[8], 16, 1)
    return dict(x=x, edge_index=edge_index, batch=batch, W1=W1, b1=b1, W2=W2, b2=b2,
                Wn1=Wn1, bn1=bn1, Wn2=Wn2, bn2=bn2, Wn3=Wn3, bn3=bn3, Wn4=Wn4, bn4=bn4)


def reference(x, edge_index, batch, W1, b1, W2, b2, Wn1, bn1, Wn2, bn2, Wn3, bn3, Wn4, bn4):
    N = x.shape[0]
    G = 64
    k = 4
    # forward ignores the provided edge_index and recomputes knn from pos = x[:, 0:3]
    src, dst = _knn_edges(x[:, :3], batch, k)
    xi = x[dst]
    xj = x[src]
    feat = jnp.concatenate([xi, xj - xi], axis=1)
    # shared nn_conv1: Linear(10,16) -> ReLU -> Linear(16,32) -> ReLU
    m = jax.nn.relu(jax.nn.relu(feat @ W1 + b1) @ W2 + b2)
    x_add = jax.ops.segment_sum(m, dst, num_segments=N)
    cnt = jax.ops.segment_sum(jnp.ones((m.shape[0], 1), jnp.float32), dst, num_segments=N)
    x_mean = x_add / jnp.clip(cnt, 1.0)
    x_max = jax.ops.segment_max(m, dst, num_segments=N)
    h = jax.nn.relu(jnp.concatenate([x_max, x_mean, x_add], axis=1))
    h = jax.nn.relu(h @ Wn1 + bn1)
    h = h @ Wn2 + bn2
    a = jax.ops.segment_max(h, batch, num_segments=G)
    bmin = -jax.ops.segment_max(-h, batch, num_segments=G)
    c = jax.ops.segment_sum(h, batch, num_segments=G)
    cb = jax.ops.segment_sum(jnp.ones((N, 1), jnp.float32), batch, num_segments=G)
    d = c / jnp.clip(cb, 1.0)
    g = jax.nn.relu(jnp.concatenate([a, bmin, c, d], axis=1))
    g = jax.nn.relu(g @ Wn3 + bn3)
    return g @ Wn4 + bn4

if __name__ == "__main__":
    import jax
    _d = setup_inputs()
    print(jax.jit(kernel)(*tuple(_d.values())))

</pallas_src>

<mosaic_0001>
#map = affine_map<(d0, d1) -> (0, 0)>
#map1 = affine_map<(d0, d1) -> (0, 0, 0)>
module attributes {stable_mosaic.version = 14 : i64} {
  func.func @_gather_body(%arg0: i32, %arg1: i32, %arg2: memref<10240x16xf32, #tpu.memory_space<hbm>>, %arg3: memref<32x10x128xi32, #tpu.memory_space<hbm>>, %arg4: memref<40960x16xf32, #tpu.memory_space<hbm>>, %arg5: memref<10x128xi32, #tpu.memory_space<vmem>>, %arg6: memref<1280x16xf32, #tpu.memory_space<vmem>>, %arg7: memref<!tpu.dma_semaphore, #tpu.memory_space<semaphore_mem>>) attributes {dimension_semantics = [#tpu.dimension_semantics<core_parallel>, #tpu.dimension_semantics<subcore_parallel>], iteration_bounds = array<i64: 2, 16>, scalar_prefetch = 0 : i64, scratch_operands = 3 : i64, tpu.core_type = #tpu.core_type<sc_vector_subcore>, window_params = [{transform_indices = #map}, {transform_indices = #map1}, {transform_indices = #map}]} {
    %mul3A = arith.constant 2 : i32
    %mul3A_0 = arith.muli %arg1, %mul3A : i32
    %add3A = arith.addi %mul3A_0, %arg0 : i32
    "tpu.region"() ({
      %run_scoped3A = tpu.sem_alloc : memref<!tpu.dma_semaphore, #tpu.memory_space<semaphore_mem>>
      %dma_start3A_201 = arith.constant 0 : i32
      %dma_start3A_202 = arith.constant 0 : i32
      %dma_start3A_203 = tpu.memref_slice %arg3[%add3A, %dma_start3A_201, %dma_start3A_202] : memref<32x10x128xi32, #tpu.memory_space<hbm>> -> memref<1x10x128xi32, #tpu.memory_space<hbm>>
      %dma_start3A_204 = tpu.memref_squeeze %dma_start3A_203 : memref<1x10x128xi32, #tpu.memory_space<hbm>> -> memref<10x128xi32, #tpu.memory_space<hbm>>
      %dma_start3A_205 = arith.constant 0 : i32
      %dma_start3A_206 = arith.constant 0 : i32
      %dma_start3A_207 = tpu.memref_slice %arg3[%add3A, %dma_start3A_205, %dma_start3A_206] : memref<32x10x128xi32, #tpu.memory_space<hbm>> -> memref<1x10x128xi32, #tpu.memory_space<hbm>>
      %dma_start3A_208 = tpu.memref_squeeze %dma_start3A_207 : memref<1x10x128xi32, #tpu.memory_space<hbm>> -> memref<10x128xi32, #tpu.memory_space<hbm>>
      tpu.enqueue_dma source(%dma_start3A_208 : memref<10x128xi32, #tpu.memory_space<hbm>>) target(%arg5 : memref<10x128xi32, #tpu.memory_space<vmem>>) target_semaphore(%run_scoped3A : memref<!tpu.dma_semaphore, #tpu.memory_space<semaphore_mem>>)
      %dma_wait3A_209 = arith.constant 0 : i32
      %dma_wait3A_210 = arith.constant 0 : i32
      %dma_wait3A_211 = tpu.memref_slice %arg3[%add3A, %dma_wait3A_209, %dma_wait3A_210] : memref<32x10x128xi32, #tpu.memory_space<hbm>> -> memref<1x10x128xi32, #tpu.memory_space<hbm>>
      %dma_wait3A_212 = tpu.memref_squeeze %dma_wait3A_211 : memref<1x10x128xi32, #tpu.memory_space<hbm>> -> memref<10x128xi32, #tpu.memory_space<hbm>>
      %dma_wait3A_213 = arith.constant 0 : i32
      %dma_wait3A_214 = arith.constant 0 : i32
      %dma_wait3A_215 = tpu.memref_slice %arg3[%add3A, %dma_wait3A_213, %dma_wait3A_214] : memref<32x10x128xi32, #tpu.memory_space<hbm>> -> memref<1x10x128xi32, #tpu.memory_space<hbm>>
      %dma_wait3A_216 = tpu.memref_squeeze %dma_wait3A_215 : memref<1x10x128xi32, #tpu.memory_space<hbm>> -> memref<10x128xi32, #tpu.memory_space<hbm>>
      tpu.wait_dma2 semaphore(%run_scoped3A : memref<!tpu.dma_semaphore, #tpu.memory_space<semaphore_mem>>) src(%dma_wait3A_216 : memref<10x128xi32, #tpu.memory_space<hbm>>) dst(%arg5 : memref<10x128xi32, #tpu.memory_space<vmem>>)
      tpu.yield
    }) : () -> ()
    %dma_start3A = arith.constant 0 : i32
    %dma_start3A_1 = arith.constant 0 : i32
    %dma_start3A_2 = arith.constant 0 : i32
    %dma_start3A_3 = tpu.memref_slice %arg6[%dma_start3A_1, %dma_start3A_2] : memref<1280x16xf32, #tpu.memory_space<vmem>> -> memref<128x16xf32, #tpu.memory_space<vmem>>
    %dma_start3A_4 = arith.constant 0 : i32
    %dma_start3A_5 = tpu.memref_slice %arg5[%dma_start3A, %dma_start3A_4] : memref<10x128xi32, #tpu.memory_space<vmem>> -> memref<1x128xi32, #tpu.memory_space<vmem>>
    %dma_start3A_6 = tpu.memref_squeeze %dma_start3A_5 : memref<1x128xi32, #tpu.memory_space<vmem>> -> memref<128xi32, #tpu.memory_space<vmem>>
    %dma_start3A_7 = arith.constant 0 : i32
    %dma_start3A_8 = arith.constant 0 : i32
    %dma_start3A_9 = tpu.memref_slice %arg2[%dma_start3A_7, %dma_start3A_8] : memref<10240x16xf32, #tpu.memory_space<hbm>> -> memref<10240x16xf32, #tpu.memory_space<hbm>>
    tpu.enqueue_indirect_dma source(%dma_start3A_9 : memref<10240x16xf32, #tpu.memory_space<hbm>>) target(%dma_start3A_3 : memref<128x16xf32, #tpu.memory_space<vmem>>) offsets(%dma_start3A_6 : memref<128xi32, #tpu.memory_space<vmem>>) semaphore(%arg7 : memref<!tpu.dma_semaphore, #tpu.memory_space<semaphore_mem>>)
    %dma_start3A_10 = arith.constant 1 : i32
    %dma_start3A_11 = arith.constant 128 : i32
    %dma_start3A_12 = arith.constant 0 : i32
    %dma_start3A_13 = tpu.memref_slice %arg6[%dma_start3A_11, %dma_start3A_12] : memref<1280x16xf32, #tpu.memory_space<vmem>> -> memref<128x16xf32, #tpu.memory_space<vmem>>
    %dma_start3A_14 = arith.constant 0 : i32
    %dma_start3A_15 = tpu.memref_slice %arg5[%dma_start3A_10, %dma_start3A_14] : memref<10x128xi32, #tpu.memory_space<vmem>> -> memref<1x128xi32, #tpu.memory_space<vmem>>
    %dma_start3A_16 = tpu.memref_squeeze %dma_start3A_15 : memref<1x128xi32, #tpu.memory_space<vmem>> -> memref<128xi32, #tpu.memory_space<vmem>>
    %dma_start3A_17 = arith.constant 0 : i32
    %dma_start3A_18 = arith.constant 0 : i32
    %dma_start3A_19 = tpu.memref_slice %arg2[%dma_start3A_17, %dma_start3A_18] : memref<10240x16xf32, #tpu.memory_space<hbm>> -> memref<10240x16xf32, #tpu.memory_space<hbm>>
    tpu.enqueue_indirect_dma source(%dma_start3A_19 : memref<10240x16xf32, #tpu.memory_space<hbm>>) target(%dma_start3A_13 : memref<128x16xf32, #tpu.memory_space<vmem>>) offsets(%dma_start3A_16 : memref<128xi32, #tpu.memory_space<vmem>>) semaphore(%arg7 : memref<!tpu.dma_semaphore, #tpu.memory_space<semaphore_mem>>)
    %dma_start3A_20 = arith.constant 2 : i32
    %dma_start3A_21 = arith.constant 256 : i32
    %dma_start3A_22 = arith.constant 0 : i32
    %dma_start3A_23 = tpu.memref_slice %arg6[%dma_start3A_21, %dma_start3A_22] : memref<1280x16xf32, #tpu.memory_space<vmem>> -> memref<128x16xf32, #tpu.memory_space<vmem>>
    %dma_start3A_24 = arith.constant 0 : i32
    %dma_start3A_25 = tpu.memref_slice %arg5[%dma_start3A_20, %dma_start3A_24] : memref<10x128xi32, #tpu.memory_space<vmem>> -> memref<1x128xi32, #tpu.memory_space<vmem>>
    %dma_start3A_26 = tpu.memref_squeeze %dma_start3A_25 : memref<1x128xi32, #tpu.memory_space<vmem>> -> memref<128xi32, #tpu.memory_space<vmem>>
    %dma_start3A_27 = arith.constant 0 : i32
    %dma_start3A_28 = arith.constant 0 : i32
    %dma_start3A_29 = tpu.memref_slice %arg2[%dma_start3A_27, %dma_start3A_28] : memref<10240x16xf32, #tpu.memory_space<hbm>> -> memref<10240x16xf32, #tpu.memory_space<hbm>>
    tpu.enqueue_indirect_dma source(%dma_start3A_29 : memref<10240x16xf32, #tpu.memory_space<hbm>>) target(%dma_start3A_23 : memref<128x16xf32, #tpu.memory_space<vmem>>) offsets(%dma_start3A_26 : memref<128xi32, #tpu.memory_space<vmem>>) semaphore(%arg7 : memref<!tpu.dma_semaphore, #tpu.memory_space<semaphore_mem>>)
    %dma_start3A_30 = arith.constant 3 : i32
    %dma_start3A_31 = arith.constant 384 : i32
    %dma_start3A_32 = arith.constant 0 : i32
    %dma_start3A_33 = tpu.memref_slice %arg6[%dma_start3A_31, %dma_start3A_32] : memref<1280x16xf32, #tpu.memory_space<vmem>> -> memref<128x16xf32, #tpu.memory_space<vmem>>
    %dma_start3A_34 = arith.constant 0 : i32
    %dma_start3A_35 = tpu.memref_slice %arg5[%dma_start3A_30, %dma_start3A_34] : memref<10x128xi32, #tpu.memory_space<vmem>> -> memref<1x128xi32, #tpu.memory_space<vmem>>
    %dma_start3A_36 = tpu.memref_squeeze %dma_start3A_35 : memref<1x128xi32, #tpu.memory_space<vmem>> -> memref<128xi32, #tpu.memory_space<vmem>>
    %dma_start3A_37 = arith.constant 0 : i32
    %dma_start3A_38 = arith.constant 0 : i32
    %dma_start3A_39 = tpu.memref_slice %arg2[%dma_start3A_37, %dma_start3A_38] : memref<10240x16xf32, #tpu.memory_space<hbm>> -> memref<10240x16xf32, #tpu.memory_space<hbm>>
    tpu.enqueue_indirect_dma source(%dma_start3A_39 : memref<10240x16xf32, #tpu.memory_space<hbm>>) target(%dma_start3A_33 : memref<128x16xf32, #tpu.memory_space<vmem>>) offsets(%dma_start3A_36 : memref<128xi32, #tpu.memory_space<vmem>>) semaphore(%arg7 : memref<!tpu.dma_semaphore, #tpu.memory_space<semaphore_mem>>)
    %dma_start3A_40 = arith.constant 4 : i32
    %dma_start3A_41 = arith.constant 512 : i32
    %dma_start3A_42 = arith.constant 0 : i32
    %dma_start3A_43 = tpu.memref_slice %arg6[%dma_start3A_41, %dma_start3A_42] : memref<1280x16xf32, #tpu.memory_space<vmem>> -> memref<128x16xf32, #tpu.memory_space<vmem>>
    %dma_start3A_44 = arith.constant 0 : i32
    %dma_start3A_45 = tpu.memref_slice %arg5[%dma_start3A_40, %dma_start3A_44] : memref<10x128xi32, #tpu.memory_space<vmem>> -> memref<1x128xi32, #tpu.memory_space<vmem>>
    %dma_start3A_46 = tpu.memref_squeeze %dma_start3A_45 : memref<1x128xi32, #tpu.memory_space<vmem>> -> memref<128xi32, #tpu.memory_space<vmem>>
    %dma_start3A_47 = arith.constant 0 : i32
    %dma_start3A_48 = arith.constant 0 : i32
    %dma_start3A_49 = tpu.memref_slice %arg2[%dma_start3A_47, %dma_start3A_48] : memref<10240x16xf32, #tpu.memory_space<hbm>> -> memref<10240x16xf32, #tpu.memory_space<hbm>>
    tpu.enqueue_indirect_dma source(%dma_start3A_49 : memref<10240x16xf32, #tpu.memory_space<hbm>>) target(%dma_start3A_43 : memref<128x16xf32, #tpu.memory_space<vmem>>) offsets(%dma_start3A_46 : memref<128xi32, #tpu.memory_space<vmem>>) semaphore(%arg7 : memref<!tpu.dma_semaphore, #tpu.memory_space<semaphore_mem>>)
    %dma_start3A_50 = arith.constant 5 : i32
    %dma_start3A_51 = arith.constant 640 : i32
    %dma_start3A_52 = arith.constant 0 : i32
    %dma_start3A_53 = tpu.memref_slice %arg6[%dma_start3A_51, %dma_start3A_52] : memref<1280x16xf32, #tpu.memory_space<vmem>> -> memref<128x16xf32, #tpu.memory_space<vmem>>
    %dma_start3A_54 = arith.constant 0 : i32
    %dma_start3A_55 = tpu.memref_slice %arg5[%dma_start3A_50, %dma_start3A_54] : memref<10x128xi32, #tpu.memory_space<vmem>> -> memref<1x128xi32, #tpu.memory_space<vmem>>
    %dma_start3A_56 = tpu.memref_squeeze %dma_start3A_55 : memref<1x128xi32, #tpu.memory_space<vmem>> -> memref<128xi32, #tpu.memory_space<vmem>>
    %dma_start3A_57 = arith.constant 0 : i32
    %dma_start3A_58 = arith.constant 0 : i32
    %dma_start3A_59 = tpu.memref_slice %arg2[%dma_start3A_57, %dma_start3A_58] : memref<10240x16xf32, #tpu.memory_space<hbm>> -> memref<10240x16xf32, #tpu.memory_space<hbm>>
    tpu.enqueue_indirect_dma source(%dma_start3A_59 : memref<10240x16xf32, #tpu.memory_space<hbm>>) target(%dma_start3A_53 : memref<128x16xf32, #tpu.memory_space<vmem>>) offsets(%dma_start3A_56 : memref<128xi32, #tpu.memory_space<vmem>>) semaphore(%arg7 : memref<!tpu.dma_semaphore, #tpu.memory_space<semaphore_mem>>)
    %dma_start3A_60 = arith.constant 6 : i32
    %dma_start3A_61 = arith.constant 768 : i32
    %dma_start3A_62 = arith.constant 0 : i32
    %dma_start3A_63 = tpu.memref_slice %arg6[%dma_start3A_61, %dma_start3A_62] : memref<1280x16xf32, #tpu.memory_space<vmem>> -> memref<128x16xf32, #tpu.memory_space<vmem>>
    %dma_start3A_64 = arith.constant 0 : i32
    %dma_start3A_65 = tpu.memref_slice %arg5[%dma_start3A_60, %dma_start3A_64] : memref<10x128xi32, #tpu.memory_space<vmem>> -> memref<1x128xi32, #tpu.memory_space<vmem>>
    %dma_start3A_66 = tpu.memref_squeeze %dma_start3A_65 : memref<1x128xi32, #tpu.memory_space<vmem>> -> memref<128xi32, #tpu.memory_space<vmem>>
    %dma_start3A_67 = arith.constant 0 : i32
    %dma_start3A_68 = arith.constant 0 : i32
    %dma_start3A_69 = tpu.memref_slice %arg2[%dma_start3A_67, %dma_start3A_68] : memref<10240x16xf32, #tpu.memory_space<hbm>> -> memref<10240x16xf32, #tpu.memory_space<hbm>>
    tpu.enqueue_indirect_dma source(%dma_start3A_69 : memref<10240x16xf32, #tpu.memory_space<hbm>>) target(%dma_start3A_63 : memref<128x16xf32, #tpu.memory_space<vmem>>) offsets(%dma_start3A_66 : memref<128xi32, #tpu.memory_space<vmem>>) semaphore(%arg7 : memref<!tpu.dma_semaphore, #tpu.memory_space<semaphore_mem>>)
    %dma_start3A_70 = arith.constant 7 : i32
    %dma_start3A_71 = arith.constant 896 : i32
    %dma_start3A_72 = arith.constant 0 : i32
    %dma_start3A_73 = tpu.memref_slice %arg6[%dma_start3A_71, %dma_start3A_72] : memref<1280x16xf32, #tpu.memory_space<vmem>> -> memref<128x16xf32, #tpu.memory_space<vmem>>
    %dma_start3A_74 = arith.constant 0 : i32
    %dma_start3A_75 = tpu.memref_slice %arg5[%dma_start3A_70, %dma_start3A_74] : memref<10x128xi32, #tpu.memory_space<vmem>> -> memref<1x128xi32, #tpu.memory_space<vmem>>
    %dma_start3A_76 = tpu.memref_squeeze %dma_start3A_75 : memref<1x128xi32, #tpu.memory_space<vmem>> -> memref<128xi32, #tpu.memory_space<vmem>>
    %dma_start3A_77 = arith.constant 0 : i32
    %dma_start3A_78 = arith.constant 0 : i32
    %dma_start3A_79 = tpu.memref_slice %arg2[%dma_start3A_77, %dma_start3A_78] : memref<10240x16xf32, #tpu.memory_space<hbm>> -> memref<10240x16xf32, #tpu.memory_space<hbm>>
    tpu.enqueue_indirect_dma source(%dma_start3A_79 : memref<10240x16xf32, #tpu.memory_space<hbm>>) target(%dma_start3A_73 : memref<128x16xf32, #tpu.memory_space<vmem>>) offsets(%dma_start3A_76 : memref<128xi32, #tpu.memory_space<vmem>>) semaphore(%arg7 : memref<!tpu.dma_semaphore, #tpu.memory_space<semaphore_mem>>)
    %dma_start3A_80 = arith.constant 8 : i32
    %dma_start3A_81 = arith.constant 1024 : i32
    %dma_start3A_82 = arith.constant 0 : i32
    %dma_start3A_83 = tpu.memref_slice %arg6[%dma_start3A_81, %dma_start3A_82] : memref<1280x16xf32, #tpu.memory_space<vmem>> -> memref<128x16xf32, #tpu.memory_space<vmem>>
    %dma_start3A_84 = arith.constant 0 : i32
    %dma_start3A_85 = tpu.memref_slice %arg5[%dma_start3A_80, %dma_start3A_84] : memref<10x128xi32, #tpu.memory_space<vmem>> -> memref<1x128xi32, #tpu.memory_space<vmem>>
    %dma_start3A_86 = tpu.memref_squeeze %dma_start3A_85 : memref<1x128xi32, #tpu.memory_space<vmem>> -> memref<128xi32, #tpu.memory_space<vmem>>
    %dma_start3A_87 = arith.constant 0 : i32
    %dma_start3A_88 = arith.constant 0 : i32
    %dma_start3A_89 = tpu.memref_slice %arg2[%dma_start3A_87, %dma_start3A_88] : memref<10240x16xf32, #tpu.memory_space<hbm>> -> memref<10240x16xf32, #tpu.memory_space<hbm>>
    tpu.enqueue_indirect_dma source(%dma_start3A_89 : memref<10240x16xf32, #tpu.memory_space<hbm>>) target(%dma_start3A_83 : memref<128x16xf32, #tpu.memory_space<vmem>>) offsets(%dma_start3A_86 : memref<128xi32, #tpu.memory_space<vmem>>) semaphore(%arg7 : memref<!tpu.dma_semaphore, #tpu.memory_space<semaphore_mem>>)
    %dma_start3A_90 = arith.constant 9 : i32
    %dma_start3A_91 = arith.constant 1152 : i32
    %dma_start3A_92 = arith.constant 0 : i32
    %dma_start3A_93 = tpu.memref_slice %arg6[%dma_start3A_91, %dma_start3A_92] : memref<1280x16xf32, #tpu.memory_space<vmem>> -> memref<128x16xf32, #tpu.memory_space<vmem>>
    %dma_start3A_94 = arith.constant 0 : i32
    %dma_start3A_95 = tpu.memref_slice %arg5[%dma_start3A_90, %dma_start3A_94] : memref<10x128xi32, #tpu.memory_space<vmem>> -> memref<1x128xi32, #tpu.memory_space<vmem>>
    %dma_start3A_96 = tpu.memref_squeeze %dma_start3A_95 : memref<1x128xi32, #tpu.memory_space<vmem>> -> memref<128xi32, #tpu.memory_space<vmem>>
    %dma_start3A_97 = arith.constant 0 : i32
    %dma_start3A_98 = arith.constant 0 : i32
    %dma_start3A_99 = tpu.memref_slice %arg2[%dma_start3A_97, %dma_start3A_98] : memref<10240x16xf32, #tpu.memory_space<hbm>> -> memref<10240x16xf32, #tpu.memory_space<hbm>>
    tpu.enqueue_indirect_dma source(%dma_start3A_99 : memref<10240x16xf32, #tpu.memory_space<hbm>>) target(%dma_start3A_93 : memref<128x16xf32, #tpu.memory_space<vmem>>) offsets(%dma_start3A_96 : memref<128xi32, #tpu.memory_space<vmem>>) semaphore(%arg7 : memref<!tpu.dma_semaphore, #tpu.memory_space<semaphore_mem>>)
    %dma_wait3A = arith.constant 0 : i32
    %dma_wait3A_100 = arith.constant 0 : i32
    %dma_wait3A_101 = arith.constant 0 : i32
    %dma_wait3A_102 = tpu.memref_slice %arg6[%dma_wait3A_100, %dma_wait3A_101] : memref<1280x16xf32, #tpu.memory_space<vmem>> -> memref<128x16xf32, #tpu.memory_space<vmem>>
    %dma_wait3A_103 = arith.constant 0 : i32
    %dma_wait3A_104 = tpu.memref_slice %arg5[%dma_wait3A, %dma_wait3A_103] : memref<10x128xi32, #tpu.memory_space<vmem>> -> memref<1x128xi32, #tpu.memory_space<vmem>>
    %dma_wait3A_105 = tpu.memref_squeeze %dma_wait3A_104 : memref<1x128xi32, #tpu.memory_space<vmem>> -> memref<128xi32, #tpu.memory_space<vmem>>
    %dma_wait3A_106 = arith.constant 0 : i32
    %dma_wait3A_107 = arith.constant 0 : i32
    %dma_wait3A_108 = tpu.memref_slice %arg2[%dma_wait3A_106, %dma_wait3A_107] : memref<10240x16xf32, #tpu.memory_space<hbm>> -> memref<10240x16xf32, #tpu.memory_space<hbm>>
    tpu.wait_indirect_dma semaphore(%arg7 : memref<!tpu.dma_semaphore, #tpu.memory_space<semaphore_mem>>) src(%dma_wait3A_108 : memref<10240x16xf32, #tpu.memory_space<hbm>>) dst(%dma_wait3A_102 : memref<128x16xf32, #tpu.memory_space<vmem>>)
    %dma_wait3A_109 = arith.constant 1 : i32
    %dma_wait3A_110 = arith.constant 128 : i32
    %dma_wait3A_111 = arith.constant 0 : i32
    %dma_wait3A_112 = tpu.memref_slice %arg6[%dma_wait3A_110, %dma_wait3A_111] : memref<1280x16xf32, #tpu.memory_space<vmem>> -> memref<128x16xf32, #tpu.memory_space<vmem>>
    %dma_wait3A_113 = arith.constant 0 : i32
    %dma_wait3A_114 = tpu.memref_slice %arg5[%dma_wait3A_109, %dma_wait3A_113] : memref<10x128xi32, #tpu.memory_space<vmem>> -> memref<1x128xi32, #tpu.memory_space<vmem>>
    %dma_wait3A_115 = tpu.memref_squeeze %dma_wait3A_114 : memref<1x128xi32, #tpu.memory_space<vmem>> -> memref<128xi32, #tpu.memory_space<vmem>>
    %dma_wait3A_116 = arith.constant 0 : i32
    %dma_wait3A_117 = arith.constant 0 : i32
    %dma_wait3A_118 = tpu.memref_slice %arg2[%dma_wait3A_116, %dma_wait3A_117] : memref<10240x16xf32, #tpu.memory_space<hbm>> -> memref<10240x16xf32, #tpu.memory_space<hbm>>
    tpu.wait_indirect_dma semaphore(%arg7 : memref<!tpu.dma_semaphore, #tpu.memory_space<semaphore_mem>>) src(%dma_wait3A_118 : memref<10240x16xf32, #tpu.memory_space<hbm>>) dst(%dma_wait3A_112 : memref<128x16xf32, #tpu.memory_space<vmem>>)
    %dma_wait3A_119 = arith.constant 2 : i32
    %dma_wait3A_120 = arith.constant 256 : i32
    %dma_wait3A_121 = arith.constant 0 : i32
    %dma_wait3A_122 = tpu.memref_slice %arg6[%dma_wait3A_120, %dma_wait3A_121] : memref<1280x16xf32, #tpu.memory_space<vmem>> -> memref<128x16xf32, #tpu.memory_space<vmem>>
    %dma_wait3A_123 = arith.constant 0 : i32
    %dma_wait3A_124 = tpu.memref_slice %arg5[%dma_wait3A_119, %dma_wait3A_123] : memref<10x128xi32, #tpu.memory_space<vmem>> -> memref<1x128xi32, #tpu.memory_space<vmem>>
    %dma_wait3A_125 = tpu.memref_squeeze %dma_wait3A_124 : memref<1x128xi32, #tpu.memory_space<vmem>> -> memref<128xi32, #tpu.memory_space<vmem>>
    %dma_wait3A_126 = arith.constant 0 : i32
    %dma_wait3A_127 = arith.constant 0 : i32
    %dma_wait3A_128 = tpu.memref_slice %arg2[%dma_wait3A_126, %dma_wait3A_127] : memref<10240x16xf32, #tpu.memory_space<hbm>> -> memref<10240x16xf32, #tpu.memory_space<hbm>>
    tpu.wait_indirect_dma semaphore(%arg7 : memref<!tpu.dma_semaphore, #tpu.memory_space<semaphore_mem>>) src(%dma_wait3A_128 : memref<10240x16xf32, #tpu.memory_space<hbm>>) dst(%dma_wait3A_122 : memref<128x16xf32, #tpu.memory_space<vmem>>)
    %dma_wait3A_129 = arith.constant 3 : i32
    %dma_wait3A_130 = arith.constant 384 : i32
    %dma_wait3A_131 = arith.constant 0 : i32
    %dma_wait3A_132 = tpu.memref_slice %arg6[%dma_wait3A_130, %dma_wait3A_131] : memref<1280x16xf32, #tpu.memory_space<vmem>> -> memref<128x16xf32, #tpu.memory_space<vmem>>
    %dma_wait3A_133 = arith.constant 0 : i32
    %dma_wait3A_134 = tpu.memref_slice %arg5[%dma_wait3A_129, %dma_wait3A_133] : memref<10x128xi32, #tpu.memory_space<vmem>> -> memref<1x128xi32, #tpu.memory_space<vmem>>
    %dma_wait3A_135 = tpu.memref_squeeze %dma_wait3A_134 : memref<1x128xi32, #tpu.memory_space<vmem>> -> memref<128xi32, #tpu.memory_space<vmem>>
    %dma_wait3A_136 = arith.constant 0 : i32
    %dma_wait3A_137 = arith.constant 0 : i32
    %dma_wait3A_138 = tpu.memref_slice %arg2[%dma_wait3A_136, %dma_wait3A_137] : memref<10240x16xf32, #tpu.memory_space<hbm>> -> memref<10240x16xf32, #tpu.memory_space<hbm>>
    tpu.wait_indirect_dma semaphore(%arg7 : memref<!tpu.dma_semaphore, #tpu.memory_space<semaphore_mem>>) src(%dma_wait3A_138 : memref<10240x16xf32, #tpu.memory_space<hbm>>) dst(%dma_wait3A_132 : memref<128x16xf32, #tpu.memory_space<vmem>>)
    %dma_wait3A_139 = arith.constant 4 : i32
    %dma_wait3A_140 = arith.constant 512 : i32
    %dma_wait3A_141 = arith.constant 0 : i32
    %dma_wait3A_142 = tpu.memref_slice %arg6[%dma_wait3A_140, %dma_wait3A_141] : memref<1280x16xf32, #tpu.memory_space<vmem>> -> memref<128x16xf32, #tpu.memory_space<vmem>>
    %dma_wait3A_143 = arith.constant 0 : i32
    %dma_wait3A_144 = tpu.memref_slice %arg5[%dma_wait3A_139, %dma_wait3A_143] : memref<10x128xi32, #tpu.memory_space<vmem>> -> memref<1x128xi32, #tpu.memory_space<vmem>>
    %dma_wait3A_145 = tpu.memref_squeeze %dma_wait3A_144 : memref<1x128xi32, #tpu.memory_space<vmem>> -> memref<128xi32, #tpu.memory_space<vmem>>
    %dma_wait3A_146 = arith.constant 0 : i32
    %dma_wait3A_147 = arith.constant 0 : i32
    %dma_wait3A_148 = tpu.memref_slice %arg2[%dma_wait3A_146, %dma_wait3A_147] : memref<10240x16xf32, #tpu.memory_space<hbm>> -> memref<10240x16xf32, #tpu.memory_space<hbm>>
    tpu.wait_indirect_dma semaphore(%arg7 : memref<!tpu.dma_semaphore, #tpu.memory_space<semaphore_mem>>) src(%dma_wait3A_148 : memref<10240x16xf32, #tpu.memory_space<hbm>>) dst(%dma_wait3A_142 : memref<128x16xf32, #tpu.memory_space<vmem>>)
    %dma_wait3A_149 = arith.constant 5 : i32
    %dma_wait3A_150 = arith.constant 640 : i32
    %dma_wait3A_151 = arith.constant 0 : i32
    %dma_wait3A_152 = tpu.memref_slice %arg6[%dma_wait3A_150, %dma_wait3A_151] : memref<1280x16xf32, #tpu.memory_space<vmem>> -> memref<128x16xf32, #tpu.memory_space<vmem>>
    %dma_wait3A_153 = arith.constant 0 : i32
    %dma_wait3A_154 = tpu.memref_slice %arg5[%dma_wait3A_149, %dma_wait3A_153] : memref<10x128xi32, #tpu.memory_space<vmem>> -> memref<1x128xi32, #tpu.memory_space<vmem>>
    %dma_wait3A_155 = tpu.memref_squeeze %dma_wait3A_154 : memref<1x128xi32, #tpu.memory_space<vmem>> -> memref<128xi32, #tpu.memory_space<vmem>>
    %dma_wait3A_156 = arith.constant 0 : i32
    %dma_wait3A_157 = arith.constant 0 : i32
    %dma_wait3A_158 = tpu.memref_slice %arg2[%dma_wait3A_156, %dma_wait3A_157] : memref<10240x16xf32, #tpu.memory_space<hbm>> -> memref<10240x16xf32, #tpu.memory_space<hbm>>
    tpu.wait_indirect_dma semaphore(%arg7 : memref<!tpu.dma_semaphore, #tpu.memory_space<semaphore_mem>>) src(%dma_wait3A_158 : memref<10240x16xf32, #tpu.memory_space<hbm>>) dst(%dma_wait3A_152 : memref<128x16xf32, #tpu.memory_space<vmem>>)
    %dma_wait3A_159 = arith.constant 6 : i32
    %dma_wait3A_160 = arith.constant 768 : i32
    %dma_wait3A_161 = arith.constant 0 : i32
    %dma_wait3A_162 = tpu.memref_slice %arg6[%dma_wait3A_160, %dma_wait3A_161] : memref<1280x16xf32, #tpu.memory_space<vmem>> -> memref<128x16xf32, #tpu.memory_space<vmem>>
    %dma_wait3A_163 = arith.constant 0 : i32
    %dma_wait3A_164 = tpu.memref_slice %arg5[%dma_wait3A_159, %dma_wait3A_163] : memref<10x128xi32, #tpu.memory_space<vmem>> -> memref<1x128xi32, #tpu.memory_space<vmem>>
    %dma_wait3A_165 = tpu.memref_squeeze %dma_wait3A_164 : memref<1x128xi32, #tpu.memory_space<vmem>> -> memref<128xi32, #tpu.memory_space<vmem>>
    %dma_wait3A_166 = arith.constant 0 : i32
    %dma_wait3A_167 = arith.constant 0 : i32
    %dma_wait3A_168 = tpu.memref_slice %arg2[%dma_wait3A_166, %dma_wait3A_167] : memref<10240x16xf32, #tpu.memory_space<hbm>> -> memref<10240x16xf32, #tpu.memory_space<hbm>>
    tpu.wait_indirect_dma semaphore(%arg7 : memref<!tpu.dma_semaphore, #tpu.memory_space<semaphore_mem>>) src(%dma_wait3A_168 : memref<10240x16xf32, #tpu.memory_space<hbm>>) dst(%dma_wait3A_162 : memref<128x16xf32, #tpu.memory_space<vmem>>)
    %dma_wait3A_169 = arith.constant 7 : i32
    %dma_wait3A_170 = arith.constant 896 : i32
    %dma_wait3A_171 = arith.constant 0 : i32
    %dma_wait3A_172 = tpu.memref_slice %arg6[%dma_wait3A_170, %dma_wait3A_171] : memref<1280x16xf32, #tpu.memory_space<vmem>> -> memref<128x16xf32, #tpu.memory_space<vmem>>
    %dma_wait3A_173 = arith.constant 0 : i32
    %dma_wait3A_174 = tpu.memref_slice %arg5[%dma_wait3A_169, %dma_wait3A_173] : memref<10x128xi32, #tpu.memory_space<vmem>> -> memref<1x128xi32, #tpu.memory_space<vmem>>
    %dma_wait3A_175 = tpu.memref_squeeze %dma_wait3A_174 : memref<1x128xi32, #tpu.memory_space<vmem>> -> memref<128xi32, #tpu.memory_space<vmem>>
    %dma_wait3A_176 = arith.constant 0 : i32
    %dma_wait3A_177 = arith.constant 0 : i32
    %dma_wait3A_178 = tpu.memref_slice %arg2[%dma_wait3A_176, %dma_wait3A_177] : memref<10240x16xf32, #tpu.memory_space<hbm>> -> memref<10240x16xf32, #tpu.memory_space<hbm>>
    tpu.wait_indirect_dma semaphore(%arg7 : memref<!tpu.dma_semaphore, #tpu.memory_space<semaphore_mem>>) src(%dma_wait3A_178 : memref<10240x16xf32, #tpu.memory_space<hbm>>) dst(%dma_wait3A_172 : memref<128x16xf32, #tpu.memory_space<vmem>>)
    %dma_wait3A_179 = arith.constant 8 : i32
    %dma_wait3A_180 = arith.constant 1024 : i32
    %dma_wait3A_181 = arith.constant 0 : i32
    %dma_wait3A_182 = tpu.memref_slice %arg6[%dma_wait3A_180, %dma_wait3A_181] : memref<1280x16xf32, #tpu.memory_space<vmem>> -> memref<128x16xf32, #tpu.memory_space<vmem>>
    %dma_wait3A_183 = arith.constant 0 : i32
    %dma_wait3A_184 = tpu.memref_slice %arg5[%dma_wait3A_179, %dma_wait3A_183] : memref<10x128xi32, #tpu.memory_space<vmem>> -> memref<1x128xi32, #tpu.memory_space<vmem>>
    %dma_wait3A_185 = tpu.memref_squeeze %dma_wait3A_184 : memref<1x128xi32, #tpu.memory_space<vmem>> -> memref<128xi32, #tpu.memory_space<vmem>>
    %dma_wait3A_186 = arith.constant 0 : i32
    %dma_wait3A_187 = arith.constant 0 : i32
    %dma_wait3A_188 = tpu.memref_slice %arg2[%dma_wait3A_186, %dma_wait3A_187] : memref<10240x16xf32, #tpu.memory_space<hbm>> -> memref<10240x16xf32, #tpu.memory_space<hbm>>
    tpu.wait_indirect_dma semaphore(%arg7 : memref<!tpu.dma_semaphore, #tpu.memory_space<semaphore_mem>>) src(%dma_wait3A_188 : memref<10240x16xf32, #tpu.memory_space<hbm>>) dst(%dma_wait3A_182 : memref<128x16xf32, #tpu.memory_space<vmem>>)
    %dma_wait3A_189 = arith.constant 9 : i32
    %dma_wait3A_190 = arith.constant 1152 : i32
    %dma_wait3A_191 = arith.constant 0 : i32
    %dma_wait3A_192 = tpu.memref_slice %arg6[%dma_wait3A_190, %dma_wait3A_191] : memref<1280x16xf32, #tpu.memory_space<vmem>> -> memref<128x16xf32, #tpu.memory_space<vmem>>
    %dma_wait3A_193 = arith.constant 0 : i32
    %dma_wait3A_194 = tpu.memref_slice %arg5[%dma_wait3A_189, %dma_wait3A_193] : memref<10x128xi32, #tpu.memory_space<vmem>> -> memref<1x128xi32, #tpu.memory_space<vmem>>
    %dma_wait3A_195 = tpu.memref_squeeze %dma_wait3A_194 : memref<1x128xi32, #tpu.memory_space<vmem>> -> memref<128xi32, #tpu.memory_space<vmem>>
    %dma_wait3A_196 = arith.constant 0 : i32
    %dma_wait3A_197 = arith.constant 0 : i32
    %dma_wait3A_198 = tpu.memref_slice %arg2[%dma_wait3A_196, %dma_wait3A_197] : memref<10240x16xf32, #tpu.memory_space<hbm>> -> memref<10240x16xf32, #tpu.memory_space<hbm>>
    tpu.wait_indirect_dma semaphore(%arg7 : memref<!tpu.dma_semaphore, #tpu.memory_space<semaphore_mem>>) src(%dma_wait3A_198 : memref<10240x16xf32, #tpu.memory_space<hbm>>) dst(%dma_wait3A_192 : memref<128x16xf32, #tpu.memory_space<vmem>>)
    %mul3A_199 = arith.constant 1280 : i32
    %mul3A_200 = arith.muli %add3A, %mul3A_199 : i32
    "tpu.region"() ({
      %run_scoped3A = tpu.sem_alloc : memref<!tpu.dma_semaphore, #tpu.memory_space<semaphore_mem>>
      %dma_start3A_201 = arith.constant 0 : i32
      %dma_start3A_202 = tpu.memref_slice %arg4[%mul3A_200, %dma_start3A_201] : memref<40960x16xf32, #tpu.memory_space<hbm>> -> memref<1280x16xf32, #tpu.memory_space<hbm>>
      %dma_start3A_203 = arith.constant 0 : i32
      %dma_start3A_204 = tpu.memref_slice %arg4[%mul3A_200, %dma_start3A_203] : memref<40960x16xf32, #tpu.memory_space<hbm>> -> memref<1280x16xf32, #tpu.memory_space<hbm>>
      tpu.enqueue_dma source(%arg6 : memref<1280x16xf32, #tpu.memory_space<vmem>>) target(%dma_start3A_204 : memref<1280x16xf32, #tpu.memory_space<hbm>>) target_semaphore(%run_scoped3A : memref<!tpu.dma_semaphore, #tpu.memory_space<semaphore_mem>>)
      %dma_wait3A_205 = arith.constant 0 : i32
      %dma_wait3A_206 = tpu.memref_slice %arg4[%mul3A_200, %dma_wait3A_205] : memref<40960x16xf32, #tpu.memory_space<hbm>> -> memref<1280x16xf32, #tpu.memory_space<hbm>>
      %dma_wait3A_207 = arith.constant 0 : i32
      %dma_wait3A_208 = tpu.memref_slice %arg4[%mul3A_200, %dma_wait3A_207] : memref<40960x16xf32, #tpu.memory_space<hbm>> -> memref<1280x16xf32, #tpu.memory_space<hbm>>
      tpu.wait_dma2 semaphore(%run_scoped3A : memref<!tpu.dma_semaphore, #tpu.memory_space<semaphore_mem>>) src(%arg6 : memref<1280x16xf32, #tpu.memory_space<vmem>>) dst(%dma_wait3A_208 : memref<1280x16xf32, #tpu.memory_space<hbm>>)
      tpu.yield
    }) : () -> ()
    return
  }
}

module attributes {stable_mosaic.version = 14 : i64} {
  func.func @_knn_body(%arg0: i32, %arg1: memref<40xi32, #tpu.memory_space<smem>>, %arg2: memref<40xi32, #tpu.memory_space<smem>>, %arg3: memref<256x8xf32, #tpu.memory_space<vmem>>, %arg4: memref<21x8x512xf32, #tpu.memory_space<vmem>>, %arg5: memref<256x4xi32, #tpu.memory_space<vmem>>) attributes {dimension_semantics = [#tpu.dimension_semantics<arbitrary>], iteration_bounds = array<i64: 40>, scalar_prefetch = 0 : i64, scratch_operands = 0 : i64, tpu.core_type = #tpu.core_type<tc>, window_params = [{transform_indices = @transform_0, window_bounds = array<i64: 40>}, {transform_indices = @transform_1, window_bounds = array<i64: 40>}, {transform_indices = @transform_2, window_bounds = array<i64: 256, 8>}, {pipeline_mode = #tpu.pipeline_mode<synchronous>, transform_indices = @transform_3, window_bounds = array<i64: 21, 8, 512>}, {transform_indices = @transform_4, window_bounds = array<i64: 256, 4>}]} {
    %get3A = arith.constant 0 : index
    %get3A_0 = arith.constant 0 : index
    %get3A_1 = vector.load %arg3[%get3A, %get3A_0] : memref<256x8xf32, #tpu.memory_space<vmem>>, vector<256x3xf32>
    %get3A_2 = arith.constant 0 : index
    %get3A_3 = arith.constant 3 : index
    %get3A_4 = vector.load %arg3[%get3A_2, %get3A_3] : memref<256x8xf32, #tpu.memory_space<vmem>>, vector<256x1xf32>
    %mul3A = arith.mulf %get3A_1, %get3A_1 : vector<256x3xf32>
    %reduce_sum3A = arith.constant dense<0.000000e+00> : vector<256xf32>
    %reduce_sum3A_5 = vector.multi_reduction <add>, %mul3A, %reduce_sum3A [1] : vector<256x3xf32> to vector<256xf32>
    %broadcast_in_dim3A = vector.shape_cast %reduce_sum3A_5 : vector<256xf32> to vector<256x1xf32>
    %mul3A_6 = arith.constant 256 : i32
    %mul3A_7 = arith.muli %arg0, %mul3A_6 : i32
    %convert_element_type3A = arith.sitofp %mul3A_7 : i32 to f32
    %iota3A = tpu.iota {dimensions = array<i32: 0>} : vector<256x1xi32>
    %convert_element_type3A_8 = arith.sitofp %iota3A : vector<256x1xi32> to vector<256x1xf32>
    %add3A = vector.broadcast %convert_element_type3A : f32 to vector<256x1xf32>
    %add3A_9 = arith.addf %add3A, %convert_element_type3A_8 : vector<256x1xf32>
    %iota3A_10 = tpu.iota {dimensions = array<i32: 1>} : vector<256x512xi32>
    %convert_element_type3A_11 = arith.sitofp %iota3A_10 : vector<256x512xi32> to vector<256x512xf32>
    %get3A_12 = arith.index_cast %arg0 : i32 to index
    %get3A_13 = memref.load %arg1[%get3A_12] : memref<40xi32, #tpu.memory_space<smem>>
    %broadcast_in_dim3A_14 = arith.constant 3.000000e+38 : f32
    %broadcast_in_dim3A_15 = vector.broadcast %broadcast_in_dim3A_14 : f32 to vector<256x1xf32>
    %broadcast_in_dim3A_16 = arith.constant 3.000000e+38 : f32
    %broadcast_in_dim3A_17 = vector.broadcast %broadcast_in_dim3A_16 : f32 to vector<256x1xf32>
    %broadcast_in_dim3A_18 = arith.constant 3.000000e+38 : f32
    %broadcast_in_dim3A_19 = vector.broadcast %broadcast_in_dim3A_18 : f32 to vector<256x1xf32>
    %broadcast_in_dim3A_20 = arith.constant 3.000000e+38 : f32
    %broadcast_in_dim3A_21 = vector.broadcast %broadcast_in_dim3A_20 : f32 to vector<256x1xf32>
    %broadcast_in_dim3A_22 = arith.constant 3.000000e+38 : f32
    %broadcast_in_dim3A_23 = vector.broadcast %broadcast_in_dim3A_22 : f32 to vector<256x1xf32>
    %broadcast_in_dim3A_24 = arith.constant 3.000000e+38 : f32
    %broadcast_in_dim3A_25 = vector.broadcast %broadcast_in_dim3A_24 : f32 to vector<256x1xf32>
    %broadcast_in_dim3A_26 = arith.constant 3.000000e+38 : f32
    %broadcast_in_dim3A_27 = vector.broadcast %broadcast_in_dim3A_26 : f32 to vector<256x1xf32>
    %broadcast_in_dim3A_28 = arith.constant 3.000000e+38 : f32
    %broadcast_in_dim3A_29 = vector.broadcast %broadcast_in_dim3A_28 : f32 to vector<256x1xf32>
    %get3A_30 = arith.index_cast %arg0 : i32 to index
    %get3A_31 = memref.load %arg2[%get3A_30] : memref<40xi32, #tpu.memory_space<smem>>
    %while3A = arith.constant 0 : i32
    %while3A_32 = arith.subi %get3A_31, %while3A : i32
    %while3A_33 = arith.addi %while3A, %while3A_32 : i32
    %while3A_34 = arith.constant 1 : i32
    %while3A_35 = arith.divsi %while3A_32, %while3A_34 : i32
    %while3A_36 = arith.muli %while3A_35, %while3A_34 : i32
    %while3A_37 = arith.addi %while3A, %while3A_36 : i32
    %while3A_38 = arith.constant 1 : i32
    %while3A_39:8 = scf.for %while3A_48 = %while3A to %while3A_37 step %while3A_38 iter_args(%while3A_49 = %broadcast_in_dim3A_15, %while3A_50 = %broadcast_in_dim3A_17, %while3A_51 = %broadcast_in_dim3A_19, %while3A_52 = %broadcast_in_dim3A_21, %while3A_53 = %broadcast_in_dim3A_23, %while3A_54 = %broadcast_in_dim3A_25, %while3A_55 = %broadcast_in_dim3A_27, %while3A_56 = %broadcast_in_dim3A_29) -> (vector<256x1xf32>, vector<256x1xf32>, vector<256x1xf32>, vector<256x1xf32>, vector<256x1xf32>, vector<256x1xf32>, vector<256x1xf32>, vector<256x1xf32>)  : i32 {
      %add3A_57 = arith.addi %get3A_13, %while3A_48 : i32
      %get3A_58 = arith.index_cast %add3A_57 : i32 to index
      %get3A_59 = arith.constant 0 : index
      %get3A_60 = arith.constant 0 : index
      %get3A_61 = vector.load %arg4[%get3A_58, %get3A_59, %get3A_60] : memref<21x8x512xf32, #tpu.memory_space<vmem>>, vector<1x8x512xf32>
      %get3A_62 = vector.shape_cast %get3A_61 : vector<1x8x512xf32> to vector<8x512xf32>
      %slice3A = vector.extract_strided_slice %get3A_62 {offsets = [0, 0], sizes = [3, 512], strides = [1, 1]} : vector<8x512xf32> to vector<3x512xf32>
      %slice3A_63 = vector.extract_strided_slice %get3A_62 {offsets = [3, 0], sizes = [1, 512], strides = [1, 1]} : vector<8x512xf32> to vector<1x512xf32>
      %mul3A_64 = arith.mulf %slice3A, %slice3A : vector<3x512xf32>
      %reduce_sum3A_65 = arith.constant dense<0.000000e+00> : vector<512xf32>
      %reduce_sum3A_66 = vector.multi_reduction <add>, %mul3A_64, %reduce_sum3A_65 [0] : vector<3x512xf32> to vector<512xf32>
      %broadcast_in_dim3A_67 = vector.shape_cast %reduce_sum3A_66 : vector<512xf32> to vector<1x512xf32>
      %dot_general3A = arith.constant dense<0.000000e+00> : vector<256x512xf32>
      %dot_general3A_68 = tpu.matmul %get3A_1, %slice3A, %dot_general3A {dimension_numbers = #tpu.dot_dimension_numbers<[1], [0], [0], [1], [0, 0, 1, 1], [], []>, transpose_lhs_hint = false} : vector<256x3xf32>, vector<3x512xf32>, vector<256x512xf32> -> vector<256x512xf32>
      %add3A_69 = vector.broadcast %broadcast_in_dim3A : vector<256x1xf32> to vector<256x512xf32>
      %add3A_70 = vector.broadcast %broadcast_in_dim3A_67 : vector<1x512xf32> to vector<256x512xf32>
      %add3A_71 = arith.addf %add3A_69, %add3A_70 : vector<256x512xf32>
      %mul3A_72 = arith.constant 2.000000e+00 : f32
      %mul3A_73 = vector.broadcast %mul3A_72 : f32 to vector<256x512xf32>
      %mul3A_74 = arith.mulf %mul3A_73, %dot_general3A_68 : vector<256x512xf32>
      %sub3A = arith.subf %add3A_71, %mul3A_74 : vector<256x512xf32>
      %sub3A_75 = vector.broadcast %get3A_4 : vector<256x1xf32> to vector<256x512xf32>
      %sub3A_76 = vector.broadcast %slice3A_63 : vector<1x512xf32> to vector<256x512xf32>
      %sub3A_77 = arith.subf %sub3A_75, %sub3A_76 : vector<256x512xf32>
      %mul3A_78 = arith.mulf %sub3A_77, %sub3A_77 : vector<256x512xf32>
      %mul3A_79 = arith.constant 1.000000e+08 : f32
      %mul3A_80 = vector.broadcast %mul3A_79 : f32 to vector<256x512xf32>
      %mul3A_81 = arith.mulf %mul3A_78, %mul3A_80 : vector<256x512xf32>
      %add3A_82 = arith.addf %sub3A, %mul3A_81 : vector<256x512xf32>
      %mul3A_83 = arith.constant 512 : i32
      %mul3A_84 = arith.muli %add3A_57, %mul3A_83 : i32
      %convert_element_type3A_85 = arith.sitofp %mul3A_84 : i32 to f32
      %add3A_86 = vector.broadcast %convert_element_type3A_85 : f32 to vector<256x512xf32>
      %add3A_87 = arith.addf %add3A_86, %convert_element_type3A_11 : vector<256x512xf32>
      %eq3A = vector.broadcast %add3A_9 : vector<256x1xf32> to vector<256x512xf32>
      %eq3A_88 = arith.cmpf oeq, %eq3A, %add3A_87 : vector<256x512xf32>
      %jit3A_89 = arith.constant 3.000000e+38 : f32
      %broadcast_in_dim3A_90 = vector.broadcast %jit3A_89 : f32 to vector<256x512xf32>
      %select_n3A = arith.select %eq3A_88, %broadcast_in_dim3A_90, %add3A_82 : vector<256x512xi1>, vector<256x512xf32>
      %slice3A_91 = vector.extract_strided_slice %select_n3A {offsets = [0, 0], sizes = [256, 128], strides = [1, 1]} : vector<256x512xf32> to vector<256x128xf32>
      %slice3A_92 = vector.extract_strided_slice %add3A_87 {offsets = [0, 0], sizes = [256, 128], strides = [1, 1]} : vector<256x512xf32> to vector<256x128xf32>
      %slice3A_93 = vector.extract_strided_slice %select_n3A {offsets = [0, 128], sizes = [256, 128], strides = [1, 1]} : vector<256x512xf32> to vector<256x128xf32>
      %slice3A_94 = vector.extract_strided_slice %add3A_87 {offsets = [0, 128], sizes = [256, 128], strides = [1, 1]} : vector<256x512xf32> to vector<256x128xf32>
      %slice3A_95 = vector.extract_strided_slice %select_n3A {offsets = [0, 256], sizes = [256, 128], strides = [1, 1]} : vector<256x512xf32> to vector<256x128xf32>
      %slice3A_96 = vector.extract_strided_slice %add3A_87 {offsets = [0, 256], sizes = [256, 128], strides = [1, 1]} : vector<256x512xf32> to vector<256x128xf32>
      %slice3A_97 = vector.extract_strided_slice %select_n3A {offsets = [0, 384], sizes = [256, 128], strides = [1, 1]} : vector<256x512xf32> to vector<256x128xf32>
      %slice3A_98 = vector.extract_strided_slice %add3A_87 {offsets = [0, 384], sizes = [256, 128], strides = [1, 1]} : vector<256x512xf32> to vector<256x128xf32>
      %lt3A = arith.cmpf olt, %slice3A_93, %slice3A_91 : vector<256x128xf32>
      %select_n3A_99 = arith.select %lt3A, %slice3A_93, %slice3A_91 : vector<256x128xi1>, vector<256x128xf32>
      %select_n3A_100 = arith.select %lt3A, %slice3A_94, %slice3A_92 : vector<256x128xi1>, vector<256x128xf32>
      %select_n3A_101 = arith.select %lt3A, %slice3A_91, %slice3A_93 : vector<256x128xi1>, vector<256x128xf32>
      %select_n3A_102 = arith.select %lt3A, %slice3A_92, %slice3A_94 : vector<256x128xi1>, vector<256x128xf32>
      %lt3A_103 = arith.cmpf olt, %slice3A_97, %slice3A_95 : vector<256x128xf32>
      %select_n3A_104 = arith.select %lt3A_103, %slice3A_97, %slice3A_95 : vector<256x128xi1>, vector<256x128xf32>
      %select_n3A_105 = arith.select %lt3A_103, %slice3A_98, %slice3A_96 : vector<256x128xi1>, vector<256x128xf32>
      %select_n3A_106 = arith.select %lt3A_103, %slice3A_95, %slice3A_97 : vector<256x128xi1>, vector<256x128xf32>
      %select_n3A_107 = arith.select %lt3A_103, %slice3A_96, %slice3A_98 : vector<256x128xi1>, vector<256x128xf32>
      %lt3A_108 = arith.cmpf olt, %select_n3A_104, %select_n3A_99 : vector<256x128xf32>
      %select_n3A_109 = arith.select %lt3A_108, %select_n3A_104, %select_n3A_99 : vector<256x128xi1>, vector<256x128xf32>
      %select_n3A_110 = arith.select %lt3A_108, %select_n3A_105, %select_n3A_100 : vector<256x128xi1>, vector<256x128xf32>
      %select_n3A_111 = arith.select %lt3A_108, %select_n3A_99, %select_n3A_104 : vector<256x128xi1>, vector<256x128xf32>
      %select_n3A_112 = arith.select %lt3A_108, %select_n3A_100, %select_n3A_105 : vector<256x128xi1>, vector<256x128xf32>
      %lt3A_113 = arith.cmpf olt, %select_n3A_106, %select_n3A_101 : vector<256x128xf32>
      %select_n3A_114 = arith.select %lt3A_113, %select_n3A_106, %select_n3A_101 : vector<256x128xi1>, vector<256x128xf32>
      %select_n3A_115 = arith.select %lt3A_113, %select_n3A_107, %select_n3A_102 : vector<256x128xi1>, vector<256x128xf32>
      %select_n3A_116 = arith.select %lt3A_113, %select_n3A_101, %select_n3A_106 : vector<256x128xi1>, vector<256x128xf32>
      %select_n3A_117 = arith.select %lt3A_113, %select_n3A_102, %select_n3A_107 : vector<256x128xi1>, vector<256x128xf32>
      %lt3A_118 = arith.cmpf olt, %select_n3A_111, %select_n3A_114 : vector<256x128xf32>
      %eq3A_119 = arith.cmpf oeq, %select_n3A_111, %select_n3A_114 : vector<256x128xf32>
      %lt3A_120 = arith.cmpf olt, %select_n3A_112, %select_n3A_115 : vector<256x128xf32>
      %and3A = arith.andi %eq3A_119, %lt3A_120 : vector<256x128xi1>
      %or3A = arith.ori %lt3A_118, %and3A : vector<256x128xi1>
      %select_n3A_121 = arith.select %or3A, %select_n3A_111, %select_n3A_114 : vector<256x128xi1>, vector<256x128xf32>
      %select_n3A_122 = arith.select %or3A, %select_n3A_112, %select_n3A_115 : vector<256x128xi1>, vector<256x128xf32>
      %select_n3A_123 = arith.select %or3A, %select_n3A_114, %select_n3A_111 : vector<256x128xi1>, vector<256x128xf32>
      %select_n3A_124 = arith.select %or3A, %select_n3A_115, %select_n3A_112 : vector<256x128xi1>, vector<256x128xf32>
      %reduce_min3A = arith.constant dense<0x7F800000> : vector<256xf32>
      %reduce_min3A_125 = vector.multi_reduction <minimumf>, %select_n3A_109, %reduce_min3A [1] : vector<256x128xf32> to vector<256xf32>
      %broadcast_in_dim3A_126 = vector.shape_cast %reduce_min3A_125 : vector<256xf32> to vector<256x1xf32>
      %eq3A_127 = vector.broadcast %broadcast_in_dim3A_126 : vector<256x1xf32> to vector<256x128xf32>
      %eq3A_128 = arith.cmpf oeq, %select_n3A_109, %eq3A_127 : vector<256x128xf32>
      %jit3A_129 = arith.constant 3.000000e+38 : f32
      %broadcast_in_dim3A_130 = vector.broadcast %jit3A_129 : f32 to vector<256x128xf32>
      %select_n3A_131 = arith.select %eq3A_128, %select_n3A_110, %broadcast_in_dim3A_130 : vector<256x128xi1>, vector<256x128xf32>
      %reduce_min3A_132 = arith.constant dense<0x7F800000> : vector<256xf32>
      %reduce_min3A_133 = vector.multi_reduction <minimumf>, %select_n3A_131, %reduce_min3A_132 [1] : vector<256x128xf32> to vector<256xf32>
      %broadcast_in_dim3A_134 = vector.shape_cast %reduce_min3A_133 : vector<256xf32> to vector<256x1xf32>
      %eq3A_135 = vector.broadcast %broadcast_in_dim3A_134 : vector<256x1xf32> to vector<256x128xf32>
      %eq3A_136 = arith.cmpf oeq, %select_n3A_110, %eq3A_135 : vector<256x128xf32>
      %select_n3A_137 = arith.select %eq3A_136, %select_n3A_121, %select_n3A_109 : vector<256x128xi1>, vector<256x128xf32>
      %select_n3A_138 = arith.select %eq3A_136, %select_n3A_123, %select_n3A_121 : vector<256x128xi1>, vector<256x128xf32>
      %select_n3A_139 = arith.select %eq3A_136, %select_n3A_116, %select_n3A_123 : vector<256x128xi1>, vector<256x128xf32>
      %jit3A_140 = arith.constant 3.000000e+38 : f32
      %broadcast_in_dim3A_141 = vector.broadcast %jit3A_140 : f32 to vector<256x128xf32>
      %select_n3A_142 = arith.select %eq3A_136, %broadcast_in_dim3A_141, %select_n3A_116 : vector<256x128xi1>, vector<256x128xf32>
      %select_n3A_143 = arith.select %eq3A_136, %select_n3A_122, %select_n3A_110 : vector<256x128xi1>, vector<256x128xf32>
      %select_n3A_144 = arith.select %eq3A_136, %select_n3A_124, %select_n3A_122 : vector<256x128xi1>, vector<256x128xf32>
      %select_n3A_145 = arith.select %eq3A_136, %select_n3A_117, %select_n3A_124 : vector<256x128xi1>, vector<256x128xf32>
      %jit3A_146 = arith.constant 3.000000e+38 : f32
      %broadcast_in_dim3A_147 = vector.broadcast %jit3A_146 : f32 to vector<256x128xf32>
      %select_n3A_148 = arith.select %eq3A_136, %broadcast_in_dim3A_147, %select_n3A_117 : vector<256x128xi1>, vector<256x128xf32>
      %reduce_min3A_149 = arith.constant dense<0x7F800000> : vector<256xf32>
      %reduce_min3A_150 = vector.multi_reduction <minimumf>, %select_n3A_137, %reduce_min3A_149 [1] : vector<256x128xf32> to vector<256xf32>
      %broadcast_in_dim3A_151 = vector.shape_cast %reduce_min3A_150 : vector<256xf32> to vector<256x1xf32>
      %eq3A_152 = vector.broadcast %broadcast_in_dim3A_151 : vector<256x1xf32> to vector<256x128xf32>
      %eq3A_153 = arith.cmpf oeq, %select_n3A_137, %eq3A_152 : vector<256x128xf32>
      %jit3A_154 = arith.constant 3.000000e+38 : f32
      %broadcast_in_dim3A_155 = vector.broadcast %jit3A_154 : f32 to vector<256x128xf32>
      %select_n3A_156 = arith.select %eq3A_153, %select_n3A_143, %broadcast_in_dim3A_155 : vector<256x128xi1>, vector<256x128xf32>
      %reduce_min3A_157 = arith.constant dense<0x7F800000> : vector<256xf32>
      %reduce_min3A_158 = vector.multi_reduction <minimumf>, %select_n3A_156, %reduce_min3A_157 [1] : vector<256x128xf32> to vector<256xf32>
      %broadcast_in_dim3A_159 = vector.shape_cast %reduce_min3A_158 : vector<256xf32> to vector<256x1xf32>
      %eq3A_160 = vector.broadcast %broadcast_in_dim3A_159 : vector<256x1xf32> to vector<256x128xf32>
      %eq3A_161 = arith.cmpf oeq, %select_n3A_143, %eq3A_160 : vector<256x128xf32>
      %select_n3A_162 = arith.select %eq3A_161, %select_n3A_138, %select_n3A_137 : vector<256x128xi1>, vector<256x128xf32>
      %select_n3A_163 = arith.select %eq3A_161, %select_n3A_139, %select_n3A_138 : vector<256x128xi1>, vector<256x128xf32>
      %select_n3A_164 = arith.select %eq3A_161, %select_n3A_142, %select_n3A_139 : vector<256x128xi1>, vector<256x128xf32>
      %jit3A_165 = arith.constant 3.000000e+38 : f32
      %broadcast_in_dim3A_166 = vector.broadcast %jit3A_165 : f32 to vector<256x128xf32>
      %select_n3A_167 = arith.select %eq3A_161, %broadcast_in_dim3A_166, %select_n3A_142 : vector<256x128xi1>, vector<256x128xf32>
      %select_n3A_168 = arith.select %eq3A_161, %select_n3A_144, %select_n3A_143 : vector<256x128xi1>, vector<256x128xf32>
      %select_n3A_169 = arith.select %eq3A_161, %select_n3A_145, %select_n3A_144 : vector<256x128xi1>, vector<256x128xf32>
      %select_n3A_170 = arith.select %eq3A_161, %select_n3A_148, %select_n3A_145 : vector<256x128xi1>, vector<256x128xf32>
      %jit3A_171 = arith.constant 3.000000e+38 : f32
      %broadcast_in_dim3A_172 = vector.broadcast %jit3A_171 : f32 to vector<256x128xf32>
      %select_n3A_173 = arith.select %eq3A_161, %broadcast_in_dim3A_172, %select_n3A_148 : vector<256x128xi1>, vector<256x128xf32>
      %reduce_min3A_174 = arith.constant dense<0x7F800000> : vector<256xf32>
      %reduce_min3A_175 = vector.multi_reduction <minimumf>, %select_n3A_162, %reduce_min3A_174 [1] : vector<256x128xf32> to vector<256xf32>
      %broadcast_in_dim3A_176 = vector.shape_cast %reduce_min3A_175 : vector<256xf32> to vector<256x1xf32>
      %eq3A_177 = vector.broadcast %broadcast_in_dim3A_176 : vector<256x1xf32> to vector<256x128xf32>
      %eq3A_178 = arith.cmpf oeq, %select_n3A_162, %eq3A_177 : vector<256x128xf32>
      %jit3A_179 = arith.constant 3.000000e+38 : f32
      %broadcast_in_dim3A_180 = vector.broadcast %jit3A_179 : f32 to vector<256x128xf32>
      %select_n3A_181 = arith.select %eq3A_178, %select_n3A_168, %broadcast_in_dim3A_180 : vector<256x128xi1>, vector<256x128xf32>
      %reduce_min3A_182 = arith.constant dense<0x7F800000> : vector<256xf32>
      %reduce_min3A_183 = vector.multi_reduction <minimumf>, %select_n3A_181, %reduce_min3A_182 [1] : vector<256x128xf32> to vector<256xf32>
      %broadcast_in_dim3A_184 = vector.shape_cast %reduce_min3A_183 : vector<256xf32> to vector<256x1xf32>
      %eq3A_185 = vector.broadcast %broadcast_in_dim3A_184 : vector<256x1xf32> to vector<256x128xf32>
      %eq3A_186 = arith.cmpf oeq, %select_n3A_168, %eq3A_185 : vector<256x128xf32>
      %select_n3A_187 = arith.select %eq3A_186, %select_n3A_163, %select_n3A_162 : vector<256x128xi1>, vector<256x128xf32>
      %select_n3A_188 = arith.select %eq3A_186, %select_n3A_164, %select_n3A_163 : vector<256x128xi1>, vector<256x128xf32>
      %select_n3A_189 = arith.select %eq3A_186, %select_n3A_167, %select_n3A_164 : vector<256x128xi1>, vector<256x128xf32>
      %jit3A_190 = arith.constant 3.000000e+38 : f32
      %broadcast_in_dim3A_191 = vector.broadcast %jit3A_190 : f32 to vector<256x128xf32>
      %select_n3A_192 = arith.select %eq3A_186, %broadcast_in_dim3A_191, %select_n3A_167 : vector<256x128xi1>, vector<256x128xf32>
      %select_n3A_193 = arith.select %eq3A_186, %select_n3A_169, %select_n3A_168 : vector<256x128xi1>, vector<256x128xf32>
      %select_n3A_194 = arith.select %eq3A_186, %select_n3A_170, %select_n3A_169 : vector<256x128xi1>, vector<256x128xf32>
      %select_n3A_195 = arith.select %eq3A_186, %select_n3A_173, %select_n3A_170 : vector<256x128xi1>, vector<256x128xf32>
      %jit3A_196 = arith.constant 3.000000e+38 : f32
      %broadcast_in_dim3A_197 = vector.broadcast %jit3A_196 : f32 to vector<256x128xf32>
      %select_n3A_198 = arith.select %eq3A_186, %broadcast_in_dim3A_197, %select_n3A_173 : vector<256x128xi1>, vector<256x128xf32>
      %reduce_min3A_199 = arith.constant dense<0x7F800000> : vector<256xf32>
      %reduce_min3A_200 = vector.multi_reduction <minimumf>, %select_n3A_187, %reduce_min3A_199 [1] : vector<256x128xf32> to vector<256xf32>
      %broadcast_in_dim3A_201 = vector.shape_cast %reduce_min3A_200 : vector<256xf32> to vector<256x1xf32>
      %eq3A_202 = vector.broadcast %broadcast_in_dim3A_201 : vector<256x1xf32> to vector<256x128xf32>
      %eq3A_203 = arith.cmpf oeq, %select_n3A_187, %eq3A_202 : vector<256x128xf32>
      %jit3A_204 = arith.constant 3.000000e+38 : f32
      %broadcast_in_dim3A_205 = vector.broadcast %jit3A_204 : f32 to vector<256x128xf32>
      %select_n3A_206 = arith.select %eq3A_203, %select_n3A_193, %broadcast_in_dim3A_205 : vector<256x128xi1>, vector<256x128xf32>
      %reduce_min3A_207 = arith.constant dense<0x7F800000> : vector<256xf32>
      %reduce_min3A_208 = vector.multi_reduction <minimumf>, %select_n3A_206, %reduce_min3A_207 [1] : vector<256x128xf32> to vector<256xf32>
      %broadcast_in_dim3A_209 = vector.shape_cast %reduce_min3A_208 : vector<256xf32> to vector<256x1xf32>
      %eq3A_210 = vector.broadcast %broadcast_in_dim3A_209 : vector<256x1xf32> to vector<256x128xf32>
      %eq3A_211 = arith.cmpf oeq, %select_n3A_193, %eq3A_210 : vector<256x128xf32>
      %select_n3A_212 = arith.select %eq3A_211, %select_n3A_188, %select_n3A_187 : vector<256x128xi1>, vector<256x128xf32>
      %select_n3A_213 = arith.select %eq3A_211, %select_n3A_189, %select_n3A_188 : vector<256x128xi1>, vector<256x128xf32>
      %select_n3A_214 = arith.select %eq3A_211, %select_n3A_192, %select_n3A_189 : vector<256x128xi1>, vector<256x128xf32>
      %jit3A_215 = arith.constant 3.000000e+38 : f32
      %broadcast_in_dim3A_216 = vector.broadcast %jit3A_215 : f32 to vector<256x128xf32>
      %select_n3A_217 = arith.select %eq3A_211, %broadcast_in_dim3A_216, %select_n3A_192 : vector<256x128xi1>, vector<256x128xf32>
      %select_n3A_218 = arith.select %eq3A_211, %select_n3A_194, %select_n3A_193 : vector<256x128xi1>, vector<256x128xf32>
      %select_n3A_219 = arith.select %eq3A_211, %select_n3A_195, %select_n3A_194 : vector<256x128xi1>, vector<256x128xf32>
      %select_n3A_220 = arith.select %eq3A_211, %select_n3A_198, %select_n3A_195 : vector<256x128xi1>, vector<256x128xf32>
      %jit3A_221 = arith.constant 3.000000e+38 : f32
      %broadcast_in_dim3A_222 = vector.broadcast %jit3A_221 : f32 to vector<256x128xf32>
      %select_n3A_223 = arith.select %eq3A_211, %broadcast_in_dim3A_222, %select_n3A_198 : vector<256x128xi1>, vector<256x128xf32>
      %lt3A_224 = arith.cmpf olt, %broadcast_in_dim3A_201, %while3A_49 : vector<256x1xf32>
      %select_n3A_225 = arith.select %lt3A_224, %broadcast_in_dim3A_201, %while3A_49 : vector<256x1xi1>, vector<256x1xf32>
      %select_n3A_226 = arith.select %lt3A_224, %broadcast_in_dim3A_209, %while3A_50 : vector<256x1xi1>, vector<256x1xf32>
      %select_n3A_227 = arith.select %lt3A_224, %while3A_49, %broadcast_in_dim3A_201 : vector<256x1xi1>, vector<256x1xf32>
      %select_n3A_228 = arith.select %lt3A_224, %while3A_50, %broadcast_in_dim3A_209 : vector<256x1xi1>, vector<256x1xf32>
      %lt3A_229 = arith.cmpf olt, %broadcast_in_dim3A_176, %while3A_51 : vector<256x1xf32>
      %select_n3A_230 = arith.select %lt3A_229, %broadcast_in_dim3A_176, %while3A_51 : vector<256x1xi1>, vector<256x1xf32>
      %select_n3A_231 = arith.select %lt3A_229, %broadcast_in_dim3A_184, %while3A_52 : vector<256x1xi1>, vector<256x1xf32>
      %select_n3A_232 = arith.select %lt3A_229, %while3A_51, %broadcast_in_dim3A_176 : vector<256x1xi1>, vector<256x1xf32>
      %select_n3A_233 = arith.select %lt3A_229, %while3A_52, %broadcast_in_dim3A_184 : vector<256x1xi1>, vector<256x1xf32>
      %lt3A_234 = arith.cmpf olt, %broadcast_in_dim3A_151, %while3A_53 : vector<256x1xf32>
      %select_n3A_235 = arith.select %lt3A_234, %broadcast_in_dim3A_151, %while3A_53 : vector<256x1xi1>, vector<256x1xf32>
      %select_n3A_236 = arith.select %lt3A_234, %broadcast_in_dim3A_159, %while3A_54 : vector<256x1xi1>, vector<256x1xf32>
      %select_n3A_237 = arith.select %lt3A_234, %while3A_53, %broadcast_in_dim3A_151 : vector<256x1xi1>, vector<256x1xf32>
      %select_n3A_238 = arith.select %lt3A_234, %while3A_54, %broadcast_in_dim3A_159 : vector<256x1xi1>, vector<256x1xf32>
      %lt3A_239 = arith.cmpf olt, %broadcast_in_dim3A_126, %while3A_55 : vector<256x1xf32>
      %select_n3A_240 = arith.select %lt3A_239, %broadcast_in_dim3A_126, %while3A_55 : vector<256x1xi1>, vector<256x1xf32>
      %select_n3A_241 = arith.select %lt3A_239, %broadcast_in_dim3A_134, %while3A_56 : vector<256x1xi1>, vector<256x1xf32>
      %select_n3A_242 = arith.select %lt3A_239, %while3A_55, %broadcast_in_dim3A_126 : vector<256x1xi1>, vector<256x1xf32>
      %select_n3A_243 = arith.select %lt3A_239, %while3A_56, %broadcast_in_dim3A_134 : vector<256x1xi1>, vector<256x1xf32>
      %lt3A_244 = arith.cmpf olt, %select_n3A_235, %select_n3A_225 : vector<256x1xf32>
      %eq3A_245 = arith.cmpf oeq, %select_n3A_235, %select_n3A_225 : vector<256x1xf32>
      %lt3A_246 = arith.cmpf olt, %select_n3A_236, %select_n3A_226 : vector<256x1xf32>
      %and3A_247 = arith.andi %eq3A_245, %lt3A_246 : vector<256x1xi1>
      %or3A_248 = arith.ori %lt3A_244, %and3A_247 : vector<256x1xi1>
      %select_n3A_249 = arith.select %or3A_248, %select_n3A_235, %select_n3A_225 : vector<256x1xi1>, vector<256x1xf32>
      %select_n3A_250 = arith.select %or3A_248, %select_n3A_236, %select_n3A_226 : vector<256x1xi1>, vector<256x1xf32>
      %select_n3A_251 = arith.select %or3A_248, %select_n3A_225, %select_n3A_235 : vector<256x1xi1>, vector<256x1xf32>
      %select_n3A_252 = arith.select %or3A_248, %select_n3A_226, %select_n3A_236 : vector<256x1xi1>, vector<256x1xf32>
      %lt3A_253 = arith.cmpf olt, %select_n3A_240, %select_n3A_230 : vector<256x1xf32>
      %eq3A_254 = arith.cmpf oeq, %select_n3A_240, %select_n3A_230 : vector<256x1xf32>
      %lt3A_255 = arith.cmpf olt, %select_n3A_241, %select_n3A_231 : vector<256x1xf32>
      %and3A_256 = arith.andi %eq3A_254, %lt3A_255 : vector<256x1xi1>
      %or3A_257 = arith.ori %lt3A_253, %and3A_256 : vector<256x1xi1>
      %select_n3A_258 = arith.select %or3A_257, %select_n3A_240, %select_n3A_230 : vector<256x1xi1>, vector<256x1xf32>
      %select_n3A_259 = arith.select %or3A_257, %select_n3A_241, %select_n3A_231 : vector<256x1xi1>, vector<256x1xf32>
      %select_n3A_260 = arith.select %or3A_257, %select_n3A_230, %select_n3A_240 : vector<256x1xi1>, vector<256x1xf32>
      %select_n3A_261 = arith.select %or3A_257, %select_n3A_231, %select_n3A_241 : vector<256x1xi1>, vector<256x1xf32>
      %lt3A_262 = arith.cmpf olt, %select_n3A_258, %select_n3A_249 : vector<256x1xf32>
      %eq3A_263 = arith.cmpf oeq, %select_n3A_258, %select_n3A_249 : vector<256x1xf32>
      %lt3A_264 = arith.cmpf olt, %select_n3A_259, %select_n3A_250 : vector<256x1xf32>
      %and3A_265 = arith.andi %eq3A_263, %lt3A_264 : vector<256x1xi1>
      %or3A_266 = arith.ori %lt3A_262, %and3A_265 : vector<256x1xi1>
      %select_n3A_267 = arith.select %or3A_266, %select_n3A_258, %select_n3A_249 : vector<256x1xi1>, vector<256x1xf32>
      %select_n3A_268 = arith.select %or3A_266, %select_n3A_259, %select_n3A_250 : vector<256x1xi1>, vector<256x1xf32>
      %select_n3A_269 = arith.select %or3A_266, %select_n3A_249, %select_n3A_258 : vector<256x1xi1>, vector<256x1xf32>
      %select_n3A_270 = arith.select %or3A_266, %select_n3A_250, %select_n3A_259 : vector<256x1xi1>, vector<256x1xf32>
      %lt3A_271 = arith.cmpf olt, %select_n3A_260, %select_n3A_251 : vector<256x1xf32>
      %eq3A_272 = arith.cmpf oeq, %select_n3A_260, %select_n3A_251 : vector<256x1xf32>
      %lt3A_273 = arith.cmpf olt, %select_n3A_261, %select_n3A_252 : vector<256x1xf32>
      %and3A_274 = arith.andi %eq3A_272, %lt3A_273 : vector<256x1xi1>
      %or3A_275 = arith.ori %lt3A_271, %and3A_274 : vector<256x1xi1>
      %select_n3A_276 = arith.select %or3A_275, %select_n3A_260, %select_n3A_251 : vector<256x1xi1>, vector<256x1xf32>
      %select_n3A_277 = arith.select %or3A_275, %select_n3A_261, %select_n3A_252 : vector<256x1xi1>, vector<256x1xf32>
      %select_n3A_278 = arith.select %or3A_275, %select_n3A_251, %select_n3A_260 : vector<256x1xi1>, vector<256x1xf32>
      %select_n3A_279 = arith.select %or3A_275, %select_n3A_252, %select_n3A_261 : vector<256x1xi1>, vector<256x1xf32>
      scf.yield %select_n3A_267, %select_n3A_268, %select_n3A_269, %select_n3A_270, %select_n3A_276, %select_n3A_277, %select_n3A_278, %select_n3A_279 : vector<256x1xf32>, vector<256x1xf32>, vector<256x1xf32>, vector<256x1xf32>, vector<256x1xf32>, vector<256x1xf32>, vector<256x1xf32>, vector<256x1xf32>
    }
    %while3A_40 = arith.constant 1 : i32
    %while3A_41:8 = scf.for %while3A_48 = %while3A_37 to %while3A_33 step %while3A_40 iter_args(%while3A_49 = %while3A_39#0, %while3A_50 = %while3A_39#1, %while3A_51 = %while3A_39#2, %while3A_52 = %while3A_39#3, %while3A_53 = %while3A_39#4, %while3A_54 = %while3A_39#5, %while3A_55 = %while3A_39#6, %while3A_56 = %while3A_39#7) -> (vector<256x1xf32>, vector<256x1xf32>, vector<256x1xf32>, vector<256x1xf32>, vector<256x1xf32>, vector<256x1xf32>, vector<256x1xf32>, vector<256x1xf32>)  : i32 {
      %add3A_57 = arith.addi %get3A_13, %while3A_48 : i32
      %get3A_58 = arith.index_cast %add3A_57 : i32 to index
      %get3A_59 = arith.constant 0 : index
      %get3A_60 = arith.constant 0 : index
      %get3A_61 = vector.load %arg4[%get3A_58, %get3A_59, %get3A_60] : memref<21x8x512xf32, #tpu.memory_space<vmem>>, vector<1x8x512xf32>
      %get3A_62 = vector.shape_cast %get3A_61 : vector<1x8x512xf32> to vector<8x512xf32>
      %slice3A = vector.extract_strided_slice %get3A_62 {offsets = [0, 0], sizes = [3, 512], strides = [1, 1]} : vector<8x512xf32> to vector<3x512xf32>
      %slice3A_63 = vector.extract_strided_slice %get3A_62 {offsets = [3, 0], sizes = [1, 512], strides = [1, 1]} : vector<8x512xf32> to vector<1x512xf32>
      %mul3A_64 = arith.mulf %slice3A, %slice3A : vector<3x512xf32>
      %reduce_sum3A_65 = arith.constant dense<0.000000e+00> : vector<512xf32>
      %reduce_sum3A_66 = vector.multi_reduction <add>, %mul3A_64, %reduce_sum3A_65 [0] : vector<3x512xf32> to vector<512xf32>
      %broadcast_in_dim3A_67 = vector.shape_cast %reduce_sum3A_66 : vector<512xf32> to vector<1x512xf32>
      %dot_general3A = arith.constant dense<0.000000e+00> : vector<256x512xf32>
      %dot_general3A_68 = tpu.matmul %get3A_1, %slice3A, %dot_general3A {dimension_numbers = #tpu.dot_dimension_numbers<[1], [0], [0], [1], [0, 0, 1, 1], [], []>, transpose_lhs_hint = false} : vector<256x3xf32>, vector<3x512xf32>, vector<256x512xf32> -> vector<256x512xf32>
      %add3A_69 = vector.broadcast %broadcast_in_dim3A : vector<256x1xf32> to vector<256x512xf32>
      %add3A_70 = vector.broadcast %broadcast_in_dim3A_67 : vector<1x512xf32> to vector<256x512xf32>
      %add3A_71 = arith.addf %add3A_69, %add3A_70 : vector<256x512xf32>
      %mul3A_72 = arith.constant 2.000000e+00 : f32
      %mul3A_73 = vector.broadcast %mul3A_72 : f32 to vector<256x512xf32>
      %mul3A_74 = arith.mulf %mul3A_73, %dot_general3A_68 : vector<256x512xf32>
      %sub3A = arith.subf %add3A_71, %mul3A_74 : vector<256x512xf32>
      %sub3A_75 = vector.broadcast %get3A_4 : vector<256x1xf32> to vector<256x512xf32>
      %sub3A_76 = vector.broadcast %slice3A_63 : vector<1x512xf32> to vector<256x512xf32>
      %sub3A_77 = arith.subf %sub3A_75, %sub3A_76 : vector<256x512xf32>
      %mul3A_78 = arith.mulf %sub3A_77, %sub3A_77 : vector<256x512xf32>
      %mul3A_79 = arith.constant 1.000000e+08 : f32
      %mul3A_80 = vector.broadcast %mul3A_79 : f32 to vector<256x512xf32>
      %mul3A_81 = arith.mulf %mul3A_78, %mul3A_80 : vector<256x512xf32>
      %add3A_82 = arith.addf %sub3A, %mul3A_81 : vector<256x512xf32>
      %mul3A_83 = arith.constant 512 : i32
      %mul3A_84 = arith.muli %add3A_57, %mul3A_83 : i32
      %convert_element_type3A_85 = arith.sitofp %mul3A_84 : i32 to f32
      %add3A_86 = vector.broadcast %convert_element_type3A_85 : f32 to vector<256x512xf32>
      %add3A_87 = arith.addf %add3A_86, %convert_element_type3A_11 : vector<256x512xf32>
      %eq3A = vector.broadcast %add3A_9 : vector<256x1xf32> to vector<256x512xf32>
      %eq3A_88 = arith.cmpf oeq, %eq3A, %add3A_87 : vector<256x512xf32>
      %jit3A_89 = arith.constant 3.000000e+38 : f32
      %broadcast_in_dim3A_90 = vector.broadcast %jit3A_89 : f32 to vector<256x512xf32>
      %select_n3A = arith.select %eq3A_88, %broadcast_in_dim3A_90, %add3A_82 : vector<256x512xi1>, vector<256x512xf32>
      %slice3A_91 = vector.extract_strided_slice %select_n3A {offsets = [0, 0], sizes = [256, 128], strides = [1, 1]} : vector<256x512xf32> to vector<256x128xf32>
      %slice3A_92 = vector.extract_strided_slice %add3A_87 {offsets = [0, 0], sizes = [256, 128], strides = [1, 1]} : vector<256x512xf32> to vector<256x128xf32>
      %slice3A_93 = vector.extract_strided_slice %select_n3A {offsets = [0, 128], sizes = [256, 128], strides = [1, 1]} : vector<256x512xf32> to vector<256x128xf32>
      %slice3A_94 = vector.extract_strided_slice %add3A_87 {offsets = [0, 128], sizes = [256, 128], strides = [1, 1]} : vector<256x512xf32> to vector<256x128xf32>
      %slice3A_95 = vector.extract_strided_slice %select_n3A {offsets = [0, 256], sizes = [256, 128], strides = [1, 1]} : vector<256x512xf32> to vector<256x128xf32>
      %slice3A_96 = vector.extract_strided_slice %add3A_87 {offsets = [0, 256], sizes = [256, 128], strides = [1, 1]} : vector<256x512xf32> to vector<256x128xf32>
      %slice3A_97 = vector.extract_strided_slice %select_n3A {offsets = [0, 384], sizes = [256, 128], strides = [1, 1]} : vector<256x512xf32> to vector<256x128xf32>
      %slice3A_98 = vector.extract_strided_slice %add3A_87 {offsets = [0, 384], sizes = [256, 128], strides = [1, 1]} : vector<256x512xf32> to vector<256x128xf32>
      %lt3A = arith.cmpf olt, %slice3A_93, %slice3A_91 : vector<256x128xf32>
      %select_n3A_99 = arith.select %lt3A, %slice3A_93, %slice3A_91 : vector<256x128xi1>, vector<256x128xf32>
      %select_n3A_100 = arith.select %lt3A, %slice3A_94, %slice3A_92 : vector<256x128xi1>, vector<256x128xf32>
      %select_n3A_101 = arith.select %lt3A, %slice3A_91, %slice3A_93 : vector<256x128xi1>, vector<256x128xf32>
      %select_n3A_102 = arith.select %lt3A, %slice3A_92, %slice3A_94 : vector<256x128xi1>, vector<256x128xf32>
      %lt3A_103 = arith.cmpf olt, %slice3A_97, %slice3A_95 : vector<256x128xf32>
      %select_n3A_104 = arith.select %lt3A_103, %slice3A_97, %slice3A_95 : vector<256x128xi1>, vector<256x128xf32>
      %select_n3A_105 = arith.select %lt3A_103, %slice3A_98, %slice3A_96 : vector<256x128xi1>, vector<256x128xf32>
      %select_n3A_106 = arith.select %lt3A_103, %slice3A_95, %slice3A_97 : vector<256x128xi1>, vector<256x128xf32>
      %select_n3A_107 = arith.select %lt3A_103, %slice3A_96, %slice3A_98 : vector<256x128xi1>, vector<256x128xf32>
      %lt3A_108 = arith.cmpf olt, %select_n3A_104, %select_n3A_99 : vector<256x128xf32>
      %select_n3A_109 = arith.select %lt3A_108, %select_n3A_104, %select_n3A_99 : vector<256x128xi1>, vector<256x128xf32>
      %select_n3A_110 = arith.select %lt3A_108, %select_n3A_105, %select_n3A_100 : vector<256x128xi1>, vector<256x128xf32>
      %select_n3A_111 = arith.select %lt3A_108, %select_n3A_99, %select_n3A_104 : vector<256x128xi1>, vector<256x128xf32>
      %select_n3A_112 = arith.select %lt3A_108, %select_n3A_100, %select_n3A_105 : vector<256x128xi1>, vector<256x128xf32>
      %lt3A_113 = arith.cmpf olt, %select_n3A_106, %select_n3A_101 : vector<256x128xf32>
      %select_n3A_114 = arith.select %lt3A_113, %select_n3A_106, %select_n3A_101 : vector<256x128xi1>, vector<256x128xf32>
      %select_n3A_115 = arith.select %lt3A_113, %select_n3A_107, %select_n3A_102 : vector<256x128xi1>, vector<256x128xf32>
      %select_n3A_116 = arith.select %lt3A_113, %select_n3A_101, %select_n3A_106 : vector<256x128xi1>, vector<256x128xf32>
      %select_n3A_117 = arith.select %lt3A_113, %select_n3A_102, %select_n3A_107 : vector<256x128xi1>, vector<256x128xf32>
      %lt3A_118 = arith.cmpf olt, %select_n3A_111, %select_n3A_114 : vector<256x128xf32>
      %eq3A_119 = arith.cmpf oeq, %select_n3A_111, %select_n3A_114 : vector<256x128xf32>
      %lt3A_120 = arith.cmpf olt, %select_n3A_112, %select_n3A_115 : vector<256x128xf32>
      %and3A = arith.andi %eq3A_119, %lt3A_120 : vector<256x128xi1>
      %or3A = arith.ori %lt3A_118, %and3A : vector<256x128xi1>
      %select_n3A_121 = arith.select %or3A, %select_n3A_111, %select_n3A_114 : vector<256x128xi1>, vector<256x128xf32>
      %select_n3A_122 = arith.select %or3A, %select_n3A_112, %select_n3A_115 : vector<256x128xi1>, vector<256x128xf32>
      %select_n3A_123 = arith.select %or3A, %select_n3A_114, %select_n3A_111 : vector<256x128xi1>, vector<256x128xf32>
      %select_n3A_124 = arith.select %or3A, %select_n3A_115, %select_n3A_112 : vector<256x128xi1>, vector<256x128xf32>
      %reduce_min3A = arith.constant dense<0x7F800000> : vector<256xf32>
      %reduce_min3A_125 = vector.multi_reduction <minimumf>, %select_n3A_109, %reduce_min3A [1] : vector<256x128xf32> to vector<256xf32>
      %broadcast_in_dim3A_126 = vector.shape_cast %reduce_min3A_125 : vector<256xf32> to vector<256x1xf32>
      %eq3A_127 = vector.broadcast %broadcast_in_dim3A_126 : vector<256x1xf32> to vector<256x128xf32>
      %eq3A_128 = arith.cmpf oeq, %select_n3A_109, %eq3A_127 : vector<256x128xf32>
      %jit3A_129 = arith.constant 3.000000e+38 : f32
      %broadcast_in_dim3A_130 = vector.broadcast %jit3A_129 : f32 to vector<256x128xf32>
      %select_n3A_131 = arith.select %eq3A_128, %select_n3A_110, %broadcast_in_dim3A_130 : vector<256x128xi1>, vector<256x128xf32>
      %reduce_min3A_132 = arith.constant dense<0x7F800000> : vector<256xf32>
      %reduce_min3A_133 = vector.multi_reduction <minimumf>, %select_n3A_131, %reduce_min3A_132 [1] : vector<256x128xf32> to vector<256xf32>
      %broadcast_in_dim3A_134 = vector.shape_cast %reduce_min3A_133 : vector<256xf32> to vector<256x1xf32>
      %eq3A_135 = vector.broadcast %broadcast_in_dim3A_134 : vector<256x1xf32> to vector<256x128xf32>
      %eq3A_136 = arith.cmpf oeq, %select_n3A_110, %eq3A_135 : vector<256x128xf32>
      %select_n3A_137 = arith.select %eq3A_136, %select_n3A_121, %select_n3A_109 : vector<256x128xi1>, vector<256x128xf32>
      %select_n3A_138 = arith.select %eq3A_136, %select_n3A_123, %select_n3A_121 : vector<256x128xi1>, vector<256x128xf32>
      %select_n3A_139 = arith.select %eq3A_136, %select_n3A_116, %select_n3A_123 : vector<256x128xi1>, vector<256x128xf32>
      %jit3A_140 = arith.constant 3.000000e+38 : f32
      %broadcast_in_dim3A_141 = vector.broadcast %jit3A_140 : f32 to vector<256x128xf32>
      %select_n3A_142 = arith.select %eq3A_136, %broadcast_in_dim3A_141, %select_n3A_116 : vector<256x128xi1>, vector<256x128xf32>
      %select_n3A_143 = arith.select %eq3A_136, %select_n3A_122, %select_n3A_110 : vector<256x128xi1>, vector<256x128xf32>
      %select_n3A_144 = arith.select %eq3A_136, %select_n3A_124, %select_n3A_122 : vector<256x128xi1>, vector<256x128xf32>
      %select_n3A_145 = arith.select %eq3A_136, %select_n3A_117, %select_n3A_124 : vector<256x128xi1>, vector<256x128xf32>
      %jit3A_146 = arith.constant 3.000000e+38 : f32
      %broadcast_in_dim3A_147 = vector.broadcast %jit3A_146 : f32 to vector<256x128xf32>
      %select_n3A_148 = arith.select %eq3A_136, %broadcast_in_dim3A_147, %select_n3A_117 : vector<256x128xi1>, vector<256x128xf32>
      %reduce_min3A_149 = arith.constant dense<0x7F800000> : vector<256xf32>
      %reduce_min3A_150 = vector.multi_reduction <minimumf>, %select_n3A_137, %reduce_min3A_149 [1] : vector<256x128xf32> to vector<256xf32>
      %broadcast_in_dim3A_151 = vector.shape_cast %reduce_min3A_150 : vector<256xf32> to vector<256x1xf32>
      %eq3A_152 = vector.broadcast %broadcast_in_dim3A_151 : vector<256x1xf32> to vector<256x128xf32>
      %eq3A_153 = arith.cmpf oeq, %select_n3A_137, %eq3A_152 : vector<256x128xf32>
      %jit3A_154 = arith.constant 3.000000e+38 : f32
      %broadcast_in_dim3A_155 = vector.broadcast %jit3A_154 : f32 to vector<256x128xf32>
      %select_n3A_156 = arith.select %eq3A_153, %select_n3A_143, %broadcast_in_dim3A_155 : vector<256x128xi1>, vector<256x128xf32>
      %reduce_min3A_157 = arith.constant dense<0x7F800000> : vector<256xf32>
      %reduce_min3A_158 = vector.multi_reduction <minimumf>, %select_n3A_156, %reduce_min3A_157 [1] : vector<256x128xf32> to vector<256xf32>
      %broadcast_in_dim3A_159 = vector.shape_cast %reduce_min3A_158 : vector<256xf32> to vector<256x1xf32>
      %eq3A_160 = vector.broadcast %broadcast_in_dim3A_159 : vector<256x1xf32> to vector<256x128xf32>
      %eq3A_161 = arith.cmpf oeq, %select_n3A_143, %eq3A_160 : vector<256x128xf32>
      %select_n3A_162 = arith.select %eq3A_161, %select_n3A_138, %select_n3A_137 : vector<256x128xi1>, vector<256x128xf32>
      %select_n3A_163 = arith.select %eq3A_161, %select_n3A_139, %select_n3A_138 : vector<256x128xi1>, vector<256x128xf32>
      %select_n3A_164 = arith.select %eq3A_161, %select_n3A_142, %select_n3A_139 : vector<256x128xi1>, vector<256x128xf32>
      %jit3A_165 = arith.constant 3.000000e+38 : f32
      %broadcast_in_dim3A_166 = vector.broadcast %jit3A_165 : f32 to vector<256x128xf32>
      %select_n3A_167 = arith.select %eq3A_161, %broadcast_in_dim3A_166, %select_n3A_142 : vector<256x128xi1>, vector<256x128xf32>
      %select_n3A_168 = arith.select %eq3A_161, %select_n3A_144, %select_n3A_143 : vector<256x128xi1>, vector<256x128xf32>
      %select_n3A_169 = arith.select %eq3A_161, %select_n3A_145, %select_n3A_144 : vector<256x128xi1>, vector<256x128xf32>
      %select_n3A_170 = arith.select %eq3A_161, %select_n3A_148, %select_n3A_145 : vector<256x128xi1>, vector<256x128xf32>
      %jit3A_171 = arith.constant 3.000000e+38 : f32
      %broadcast_in_dim3A_172 = vector.broadcast %jit3A_171 : f32 to vector<256x128xf32>
      %select_n3A_173 = arith.select %eq3A_161, %broadcast_in_dim3A_172, %select_n3A_148 : vector<256x128xi1>, vector<256x128xf32>
      %reduce_min3A_174 = arith.constant dense<0x7F800000> : vector<256xf32>
      %reduce_min3A_175 = vector.multi_reduction <minimumf>, %select_n3A_162, %reduce_min3A_174 [1] : vector<256x128xf32> to vector<256xf32>
      %broadcast_in_dim3A_176 = vector.shape_cast %reduce_min3A_175 : vector<256xf32> to vector<256x1xf32>
      %eq3A_177 = vector.broadcast %broadcast_in_dim3A_176 : vector<256x1xf32> to vector<256x128xf32>
      %eq3A_178 = arith.cmpf oeq, %select_n3A_162, %eq3A_177 : vector<256x128xf32>
      %jit3A_179 = arith.constant 3.000000e+38 : f32
      %broadcast_in_dim3A_180 = vector.broadcast %jit3A_179 : f32 to vector<256x128xf32>
      %select_n3A_181 = arith.select %eq3A_178, %select_n3A_168, %broadcast_in_dim3A_180 : vector<256x128xi1>, vector<256x128xf32>
      %reduce_min3A_182 = arith.constant dense<0x7F800000> : vector<256xf32>
      %reduce_min3A_183 = vector.multi_reduction <minimumf>, %select_n3A_181, %reduce_min3A_182 [1] : vector<256x128xf32> to vector<256xf32>
      %broadcast_in_dim3A_184 = vector.shape_cast %reduce_min3A_183 : vector<256xf32> to vector<256x1xf32>
      %eq3A_185 = vector.broadcast %broadcast_in_dim3A_184 : vector<256x1xf32> to vector<256x128xf32>
      %eq3A_186 = arith.cmpf oeq, %select_n3A_168, %eq3A_185 : vector<256x128xf32>
      %select_n3A_187 = arith.select %eq3A_186, %select_n3A_163, %select_n3A_162 : vector<256x128xi1>, vector<256x128xf32>
      %select_n3A_188 = arith.select %eq3A_186, %select_n3A_164, %select_n3A_163 : vector<256x128xi1>, vector<256x128xf32>
      %select_n3A_189 = arith.select %eq3A_186, %select_n3A_167, %select_n3A_164 : vector<256x128xi1>, vector<256x128xf32>
      %jit3A_190 = arith.constant 3.000000e+38 : f32
      %broadcast_in_dim3A_191 = vector.broadcast %jit3A_190 : f32 to vector<256x128xf32>
      %select_n3A_192 = arith.select %eq3A_186, %broadcast_in_dim3A_191, %select_n3A_167 : vector<256x128xi1>, vector<256x128xf32>
      %select_n3A_193 = arith.select %eq3A_186, %select_n3A_169, %select_n3A_168 : vector<256x128xi1>, vector<256x128xf32>
      %select_n3A_194 = arith.select %eq3A_186, %select_n3A_170, %select_n3A_169 : vector<256x128xi1>, vector<256x128xf32>
      %select_n3A_195 = arith.select %eq3A_186, %select_n3A_173, %select_n3A_170 : vector<256x128xi1>, vector<256x128xf32>
      %jit3A_196 = arith.constant 3.000000e+38 : f32
      %broadcast_in_dim3A_197 = vector.broadcast %jit3A_196 : f32 to vector<256x128xf32>
      %select_n3A_198 = arith.select %eq3A_186, %broadcast_in_dim3A_197, %select_n3A_173 : vector<256x128xi1>, vector<256x128xf32>
      %reduce_min3A_199 = arith.constant dense<0x7F800000> : vector<256xf32>
      %reduce_min3A_200 = vector.multi_reduction <minimumf>, %select_n3A_187, %reduce_min3A_199 [1] : vector<256x128xf32> to vector<256xf32>
      %broadcast_in_dim3A_201 = vector.shape_cast %reduce_min3A_200 : vector<256xf32> to vector<256x1xf32>
      %eq3A_202 = vector.broadcast %broadcast_in_dim3A_201 : vector<256x1xf32> to vector<256x128xf32>
      %eq3A_203 = arith.cmpf oeq, %select_n3A_187, %eq3A_202 : vector<256x128xf32>
      %jit3A_204 = arith.constant 3.000000e+38 : f32
      %broadcast_in_dim3A_205 = vector.broadcast %jit3A_204 : f32 to vector<256x128xf32>
      %select_n3A_206 = arith.select %eq3A_203, %select_n3A_193, %broadcast_in_dim3A_205 : vector<256x128xi1>, vector<256x128xf32>
      %reduce_min3A_207 = arith.constant dense<0x7F800000> : vector<256xf32>
      %reduce_min3A_208 = vector.multi_reduction <minimumf>, %select_n3A_206, %reduce_min3A_207 [1] : vector<256x128xf32> to vector<256xf32>
      %broadcast_in_dim3A_209 = vector.shape_cast %reduce_min3A_208 : vector<256xf32> to vector<256x1xf32>
      %eq3A_210 = vector.broadcast %broadcast_in_dim3A_209 : vector<256x1xf32> to vector<256x128xf32>
      %eq3A_211 = arith.cmpf oeq, %select_n3A_193, %eq3A_210 : vector<256x128xf32>
      %select_n3A_212 = arith.select %eq3A_211, %select_n3A_188, %select_n3A_187 : vector<256x128xi1>, vector<256x128xf32>
      %select_n3A_213 = arith.select %eq3A_211, %select_n3A_189, %select_n3A_188 : vector<256x128xi1>, vector<256x128xf32>
      %select_n3A_214 = arith.select %eq3A_211, %select_n3A_192, %select_n3A_189 : vector<256x128xi1>, vector<256x128xf32>
      %jit3A_215 = arith.constant 3.000000e+38 : f32
      %broadcast_in_dim3A_216 = vector.broadcast %jit3A_215 : f32 to vector<256x128xf32>
      %select_n3A_217 = arith.select %eq3A_211, %broadcast_in_dim3A_216, %select_n3A_192 : vector<256x128xi1>, vector<256x128xf32>
      %select_n3A_218 = arith.select %eq3A_211, %select_n3A_194, %select_n3A_193 : vector<256x128xi1>, vector<256x128xf32>
      %select_n3A_219 = arith.select %eq3A_211, %select_n3A_195, %select_n3A_194 : vector<256x128xi1>, vector<256x128xf32>
      %select_n3A_220 = arith.select %eq3A_211, %select_n3A_198, %select_n3A_195 : vector<256x128xi1>, vector<256x128xf32>
      %jit3A_221 = arith.constant 3.000000e+38 : f32
      %broadcast_in_dim3A_222 = vector.broadcast %jit3A_221 : f32 to vector<256x128xf32>
      %select_n3A_223 = arith.select %eq3A_211, %broadcast_in_dim3A_222, %select_n3A_198 : vector<256x128xi1>, vector<256x128xf32>
      %lt3A_224 = arith.cmpf olt, %broadcast_in_dim3A_201, %while3A_49 : vector<256x1xf32>
      %select_n3A_225 = arith.select %lt3A_224, %broadcast_in_dim3A_201, %while3A_49 : vector<256x1xi1>, vector<256x1xf32>
      %select_n3A_226 = arith.select %lt3A_224, %broadcast_in_dim3A_209, %while3A_50 : vector<256x1xi1>, vector<256x1xf32>
      %select_n3A_227 = arith.select %lt3A_224, %while3A_49, %broadcast_in_dim3A_201 : vector<256x1xi1>, vector<256x1xf32>
      %select_n3A_228 = arith.select %lt3A_224, %while3A_50, %broadcast_in_dim3A_209 : vector<256x1xi1>, vector<256x1xf32>
      %lt3A_229 = arith.cmpf olt, %broadcast_in_dim3A_176, %while3A_51 : vector<256x1xf32>
      %select_n3A_230 = arith.select %lt3A_229, %broadcast_in_dim3A_176, %while3A_51 : vector<256x1xi1>, vector<256x1xf32>
      %select_n3A_231 = arith.select %lt3A_229, %broadcast_in_dim3A_184, %while3A_52 : vector<256x1xi1>, vector<256x1xf32>
      %select_n3A_232 = arith.select %lt3A_229, %while3A_51, %broadcast_in_dim3A_176 : vector<256x1xi1>, vector<256x1xf32>
      %select_n3A_233 = arith.select %lt3A_229, %while3A_52, %broadcast_in_dim3A_184 : vector<256x1xi1>, vector<256x1xf32>
      %lt3A_234 = arith.cmpf olt, %broadcast_in_dim3A_151, %while3A_53 : vector<256x1xf32>
      %select_n3A_235 = arith.select %lt3A_234, %broadcast_in_dim3A_151, %while3A_53 : vector<256x1xi1>, vector<256x1xf32>
      %select_n3A_236 = arith.select %lt3A_234, %broadcast_in_dim3A_159, %while3A_54 : vector<256x1xi1>, vector<256x1xf32>
      %select_n3A_237 = arith.select %lt3A_234, %while3A_53, %broadcast_in_dim3A_151 : vector<256x1xi1>, vector<256x1xf32>
      %select_n3A_238 = arith.select %lt3A_234, %while3A_54, %broadcast_in_dim3A_159 : vector<256x1xi1>, vector<256x1xf32>
      %lt3A_239 = arith.cmpf olt, %broadcast_in_dim3A_126, %while3A_55 : vector<256x1xf32>
      %select_n3A_240 = arith.select %lt3A_239, %broadcast_in_dim3A_126, %while3A_55 : vector<256x1xi1>, vector<256x1xf32>
      %select_n3A_241 = arith.select %lt3A_239, %broadcast_in_dim3A_134, %while3A_56 : vector<256x1xi1>, vector<256x1xf32>
      %select_n3A_242 = arith.select %lt3A_239, %while3A_55, %broadcast_in_dim3A_126 : vector<256x1xi1>, vector<256x1xf32>
      %select_n3A_243 = arith.select %lt3A_239, %while3A_56, %broadcast_in_dim3A_134 : vector<256x1xi1>, vector<256x1xf32>
      %lt3A_244 = arith.cmpf olt, %select_n3A_235, %select_n3A_225 : vector<256x1xf32>
      %eq3A_245 = arith.cmpf oeq, %select_n3A_235, %select_n3A_225 : vector<256x1xf32>
      %lt3A_246 = arith.cmpf olt, %select_n3A_236, %select_n3A_226 : vector<256x1xf32>
      %and3A_247 = arith.andi %eq3A_245, %lt3A_246 : vector<256x1xi1>
      %or3A_248 = arith.ori %lt3A_244, %and3A_247 : vector<256x1xi1>
      %select_n3A_249 = arith.select %or3A_248, %select_n3A_235, %select_n3A_225 : vector<256x1xi1>, vector<256x1xf32>
      %select_n3A_250 = arith.select %or3A_248, %select_n3A_236, %select_n3A_226 : vector<256x1xi1>, vector<256x1xf32>
      %select_n3A_251 = arith.select %or3A_248, %select_n3A_225, %select_n3A_235 : vector<256x1xi1>, vector<256x1xf32>
      %select_n3A_252 = arith.select %or3A_248, %select_n3A_226, %select_n3A_236 : vector<256x1xi1>, vector<256x1xf32>
      %lt3A_253 = arith.cmpf olt, %select_n3A_240, %select_n3A_230 : vector<256x1xf32>
      %eq3A_254 = arith.cmpf oeq, %select_n3A_240, %select_n3A_230 : vector<256x1xf32>
      %lt3A_255 = arith.cmpf olt, %select_n3A_241, %select_n3A_231 : vector<256x1xf32>
      %and3A_256 = arith.andi %eq3A_254, %lt3A_255 : vector<256x1xi1>
      %or3A_257 = arith.ori %lt3A_253, %and3A_256 : vector<256x1xi1>
      %select_n3A_258 = arith.select %or3A_257, %select_n3A_240, %select_n3A_230 : vector<256x1xi1>, vector<256x1xf32>
      %select_n3A_259 = arith.select %or3A_257, %select_n3A_241, %select_n3A_231 : vector<256x1xi1>, vector<256x1xf32>
      %select_n3A_260 = arith.select %or3A_257, %select_n3A_230, %select_n3A_240 : vector<256x1xi1>, vector<256x1xf32>
      %select_n3A_261 = arith.select %or3A_257, %select_n3A_231, %select_n3A_241 : vector<256x1xi1>, vector<256x1xf32>
      %lt3A_262 = arith.cmpf olt, %select_n3A_258, %select_n3A_249 : vector<256x1xf32>
      %eq3A_263 = arith.cmpf oeq, %select_n3A_258, %select_n3A_249 : vector<256x1xf32>
      %lt3A_264 = arith.cmpf olt, %select_n3A_259, %select_n3A_250 : vector<256x1xf32>
      %and3A_265 = arith.andi %eq3A_263, %lt3A_264 : vector<256x1xi1>
      %or3A_266 = arith.ori %lt3A_262, %and3A_265 : vector<256x1xi1>
      %select_n3A_267 = arith.select %or3A_266, %select_n3A_258, %select_n3A_249 : vector<256x1xi1>, vector<256x1xf32>
      %select_n3A_268 = arith.select %or3A_266, %select_n3A_259, %select_n3A_250 : vector<256x1xi1>, vector<256x1xf32>
      %select_n3A_269 = arith.select %or3A_266, %select_n3A_249, %select_n3A_258 : vector<256x1xi1>, vector<256x1xf32>
      %select_n3A_270 = arith.select %or3A_266, %select_n3A_250, %select_n3A_259 : vector<256x1xi1>, vector<256x1xf32>
      %lt3A_271 = arith.cmpf olt, %select_n3A_260, %select_n3A_251 : vector<256x1xf32>
      %eq3A_272 = arith.cmpf oeq, %select_n3A_260, %select_n3A_251 : vector<256x1xf32>
      %lt3A_273 = arith.cmpf olt, %select_n3A_261, %select_n3A_252 : vector<256x1xf32>
      %and3A_274 = arith.andi %eq3A_272, %lt3A_273 : vector<256x1xi1>
      %or3A_275 = arith.ori %lt3A_271, %and3A_274 : vector<256x1xi1>
      %select_n3A_276 = arith.select %or3A_275, %select_n3A_260, %select_n3A_251 : vector<256x1xi1>, vector<256x1xf32>
      %select_n3A_277 = arith.select %or3A_275, %select_n3A_261, %select_n3A_252 : vector<256x1xi1>, vector<256x1xf32>
      %select_n3A_278 = arith.select %or3A_275, %select_n3A_251, %select_n3A_260 : vector<256x1xi1>, vector<256x1xf32>
      %select_n3A_279 = arith.select %or3A_275, %select_n3A_252, %select_n3A_261 : vector<256x1xi1>, vector<256x1xf32>
      scf.yield %select_n3A_267, %select_n3A_268, %select_n3A_269, %select_n3A_270, %select_n3A_276, %select_n3A_277, %select_n3A_278, %select_n3A_279 : vector<256x1xf32>, vector<256x1xf32>, vector<256x1xf32>, vector<256x1xf32>, vector<256x1xf32>, vector<256x1xf32>, vector<256x1xf32>, vector<256x1xf32>
    }
    %concatenate3A = tpu.concatenate %while3A_41#1, %while3A_41#3, %while3A_41#5, %while3A_41#7 in 1 : vector<256x1xf32>, vector<256x1xf32>, vector<256x1xf32>, vector<256x1xf32> -> vector<256x4xf32>
    %jit3A = arith.constant 0.000000e+00 : f32
    %jit3A_42 = arith.constant 9.999000e+03 : f32
    %max3A = vector.broadcast %jit3A : f32 to vector<256x4xf32>
    %max3A_43 = arith.maximumf %max3A, %concatenate3A : vector<256x4xf32>
    %min3A = vector.broadcast %jit3A_42 : f32 to vector<256x4xf32>
    %min3A_44 = arith.minimumf %min3A, %max3A_43 : vector<256x4xf32>
    %convert_element_type3A_45 = arith.fptosi %min3A_44 : vector<256x4xf32> to vector<256x4xi32>
    %swap3A = arith.constant 0 : index
    %swap3A_46 = arith.constant 0 : index
    %swap3A_47 = vector.load %arg5[%swap3A, %swap3A_46] : memref<256x4xi32, #tpu.memory_space<vmem>>, vector<256x4xi32>
    tpu.vector_store %arg5[%swap3A, %swap3A_46], %convert_element_type3A_45 {strides = array<i32>} : memref<256x4xi32, #tpu.memory_space<vmem>>, vector<256x4xi32>,
    return
  }
  func.func @transform_0(%arg0: i32) -> i32 {
    %c0_i32 = arith.constant 0 : i32
    %c0_i32_0 = arith.constant 0 : i32
    return %c0_i32 : i32
  }
  func.func @transform_1(%arg0: i32) -> i32 {
    %c0_i32 = arith.constant 0 : i32
    %c0_i32_0 = arith.constant 0 : i32
    return %c0_i32 : i32
  }
  func.func @transform_2(%arg0: i32) -> (i32, i32) {
    %c0_i32 = arith.constant 0 : i32
    %c0_i32_0 = arith.constant 0 : i32
    return %arg0, %c0_i32 : i32, i32
  }
  func.func @transform_3(%arg0: i32) -> (i32, i32, i32) {
    %c0_i32 = arith.constant 0 : i32
    %c0_i32_0 = arith.constant 0 : i32
    %c0_i32_1 = arith.constant 0 : i32
    %c0_i32_2 = arith.constant 0 : i32
    return %c0_i32, %c0_i32_0, %c0_i32_1 : i32, i32, i32
  }
  func.func @transform_4(%arg0: i32) -> (i32, i32) {
    %c0_i32 = arith.constant 0 : i32
    %c0_i32_0 = arith.constant 0 : i32
    return %arg0, %c0_i32 : i32, i32
  }
}

module attributes {stable_mosaic.version = 14 : i64} {
  func.func @_conv_body(%arg0: i32, %arg1: memref<512x16xf32, #tpu.memory_space<vmem>>, %arg2: memref<4x512x16xf32, #tpu.memory_space<vmem>>, %arg3: memref<10x16xf32, #tpu.memory_space<vmem>>, %arg4: memref<1x16xf32, #tpu.memory_space<vmem>>, %arg5: memref<16x32xf32, #tpu.memory_space<vmem>>, %arg6: memref<1x32xf32, #tpu.memory_space<vmem>>, %arg7: memref<96x64xf32, #tpu.memory_space<vmem>>, %arg8: memref<1x64xf32, #tpu.memory_space<vmem>>, %arg9: memref<64x32xf32, #tpu.memory_space<vmem>>, %arg10: memref<1x32xf32, #tpu.memory_space<vmem>>, %arg11: memref<512x32xf32, #tpu.memory_space<vmem>>) attributes {dimension_semantics = [#tpu.dimension_semantics<arbitrary>], iteration_bounds = array<i64: 20>, scalar_prefetch = 0 : i64, scratch_operands = 0 : i64, tpu.core_type = #tpu.core_type<tc>, window_params = [{transform_indices = @transform_0, window_bounds = array<i64: 512, 16>}, {transform_indices = @transform_1, window_bounds = array<i64: 4, 512, 16>}, {pipeline_mode = #tpu.pipeline_mode<synchronous>, transform_indices = @transform_2, window_bounds = array<i64: 10, 16>}, {pipeline_mode = #tpu.pipeline_mode<synchronous>, transform_indices = @transform_3, window_bounds = array<i64: 1, 16>}, {pipeline_mode = #tpu.pipeline_mode<synchronous>, transform_indices = @transform_4, window_bounds = array<i64: 16, 32>}, {pipeline_mode = #tpu.pipeline_mode<synchronous>, transform_indices = @transform_5, window_bounds = array<i64: 1, 32>}, {pipeline_mode = #tpu.pipeline_mode<synchronous>, transform_indices = @transform_6, window_bounds = array<i64: 96, 64>}, {pipeline_mode = #tpu.pipeline_mode<synchronous>, transform_indices = @transform_7, window_bounds = array<i64: 1, 64>}, {pipeline_mode = #tpu.pipeline_mode<synchronous>, transform_indices = @transform_8, window_bounds = array<i64: 64, 32>}, {pipeline_mode = #tpu.pipeline_mode<synchronous>, transform_indices = @transform_9, window_bounds = array<i64: 1, 32>}, {transform_indices = @transform_10, window_bounds = array<i64: 512, 32>}]} {
    %get3A = arith.constant 0 : index
    %get3A_0 = arith.constant 0 : index
    %get3A_1 = vector.load %arg1[%get3A, %get3A_0] : memref<512x16xf32, #tpu.memory_space<vmem>>, vector<512x5xf32>
    %get3A_2 = arith.constant 0 : index
    %get3A_3 = arith.constant 0 : index
    %get3A_4 = vector.load %arg3[%get3A_2, %get3A_3] : memref<10x16xf32, #tpu.memory_space<vmem>>, vector<5x16xf32>
    %get3A_5 = arith.constant 5 : index
    %get3A_6 = arith.constant 0 : index
    %get3A_7 = vector.load %arg3[%get3A_5, %get3A_6] : memref<10x16xf32, #tpu.memory_space<vmem>>, vector<5x16xf32>
    %sub3A = arith.subf %get3A_4, %get3A_7 : vector<5x16xf32>
    %dot_general3A = arith.constant dense<0.000000e+00> : vector<512x16xf32>
    %dot_general3A_8 = tpu.matmul %get3A_1, %sub3A, %dot_general3A {dimension_numbers = #tpu.dot_dimension_numbers<[1], [0], [0], [1], [0, 0, 1, 1], [], []>, transpose_lhs_hint = false} : vector<512x5xf32>, vector<5x16xf32>, vector<512x16xf32> -> vector<512x16xf32>
    %get3A_9 = arith.constant 0 : index
    %get3A_10 = arith.constant 0 : index
    %get3A_11 = vector.load %arg4[%get3A_9, %get3A_10] : memref<1x16xf32, #tpu.memory_space<vmem>>, vector<1x16xf32>
    %add3A = vector.broadcast %get3A_11 : vector<1x16xf32> to vector<512x16xf32>
    %add3A_12 = arith.addf %dot_general3A_8, %add3A : vector<512x16xf32>
    %get3A_13 = arith.constant 0 : index
    %get3A_14 = arith.constant 0 : index
    %get3A_15 = vector.load %arg5[%get3A_13, %get3A_14] : memref<16x32xf32, #tpu.memory_space<vmem>>, vector<16x32xf32>
    %get3A_16 = arith.constant 0 : index
    %get3A_17 = arith.constant 0 : index
    %get3A_18 = vector.load %arg6[%get3A_16, %get3A_17] : memref<1x32xf32, #tpu.memory_space<vmem>>, vector<1x32xf32>
    %broadcast_in_dim3A = arith.constant 0.000000e+00 : f32
    %broadcast_in_dim3A_19 = vector.broadcast %broadcast_in_dim3A : f32 to vector<512x32xf32>
    %broadcast_in_dim3A_20 = arith.constant -3.000000e+38 : f32
    %broadcast_in_dim3A_21 = vector.broadcast %broadcast_in_dim3A_20 : f32 to vector<512x32xf32>
    %get3A_22 = arith.constant 0 : index
    %get3A_23 = arith.constant 0 : index
    %get3A_24 = arith.constant 0 : index
    %get3A_25 = vector.load %arg2[%get3A_22, %get3A_23, %get3A_24] : memref<4x512x16xf32, #tpu.memory_space<vmem>>, vector<1x512x16xf32>
    %get3A_26 = vector.shape_cast %get3A_25 : vector<1x512x16xf32> to vector<512x16xf32>
    %slice3A = vector.extract_strided_slice %get3A_26 {offsets = [0, 0], sizes = [512, 5], strides = [1, 1]} : vector<512x16xf32> to vector<512x5xf32>
    %dot_general3A_27 = arith.constant dense<0.000000e+00> : vector<512x16xf32>
    %dot_general3A_28 = tpu.matmul %slice3A, %get3A_7, %dot_general3A_27 {dimension_numbers = #tpu.dot_dimension_numbers<[1], [0], [0], [1], [0, 0, 1, 1], [], []>, transpose_lhs_hint = false} : vector<512x5xf32>, vector<5x16xf32>, vector<512x16xf32> -> vector<512x16xf32>
    %add3A_29 = arith.addf %add3A_12, %dot_general3A_28 : vector<512x16xf32>
    %max3A = arith.constant 0.000000e+00 : f32
    %max3A_30 = vector.broadcast %max3A : f32 to vector<512x16xf32>
    %max3A_31 = arith.maximumf %add3A_29, %max3A_30 : vector<512x16xf32>
    %dot_general3A_32 = arith.constant dense<0.000000e+00> : vector<512x32xf32>
    %dot_general3A_33 = tpu.matmul %max3A_31, %get3A_15, %dot_general3A_32 {dimension_numbers = #tpu.dot_dimension_numbers<[1], [0], [0], [1], [0, 0, 1, 1], [], []>, transpose_lhs_hint = false} : vector<512x16xf32>, vector<16x32xf32>, vector<512x32xf32> -> vector<512x32xf32>
    %add3A_34 = vector.broadcast %get3A_18 : vector<1x32xf32> to vector<512x32xf32>
    %add3A_35 = arith.addf %dot_general3A_33, %add3A_34 : vector<512x32xf32>
    %max3A_36 = arith.constant 0.000000e+00 : f32
    %max3A_37 = vector.broadcast %max3A_36 : f32 to vector<512x32xf32>
    %max3A_38 = arith.maximumf %add3A_35, %max3A_37 : vector<512x32xf32>
    %add3A_39 = arith.addf %broadcast_in_dim3A_19, %max3A_38 : vector<512x32xf32>
    %max3A_40 = arith.maximumf %broadcast_in_dim3A_21, %max3A_38 : vector<512x32xf32>
    %get3A_41 = arith.constant 1 : index
    %get3A_42 = arith.constant 0 : index
    %get3A_43 = arith.constant 0 : index
    %get3A_44 = vector.load %arg2[%get3A_41, %get3A_42, %get3A_43] : memref<4x512x16xf32, #tpu.memory_space<vmem>>, vector<1x512x16xf32>
    %get3A_45 = vector.shape_cast %get3A_44 : vector<1x512x16xf32> to vector<512x16xf32>
    %slice3A_46 = vector.extract_strided_slice %get3A_45 {offsets = [0, 0], sizes = [512, 5], strides = [1, 1]} : vector<512x16xf32> to vector<512x5xf32>
    %dot_general3A_47 = arith.constant dense<0.000000e+00> : vector<512x16xf32>
    %dot_general3A_48 = tpu.matmul %slice3A_46, %get3A_7, %dot_general3A_47 {dimension_numbers = #tpu.dot_dimension_numbers<[1], [0], [0], [1], [0, 0, 1, 1], [], []>, transpose_lhs_hint = false} : vector<512x5xf32>, vector<5x16xf32>, vector<512x16xf32> -> vector<512x16xf32>
    %add3A_49 = arith.addf %add3A_12, %dot_general3A_48 : vector<512x16xf32>
    %max3A_50 = arith.constant 0.000000e+00 : f32
    %max3A_51 = vector.broadcast %max3A_50 : f32 to vector<512x16xf32>
    %max3A_52 = arith.maximumf %add3A_49, %max3A_51 : vector<512x16xf32>
    %dot_general3A_53 = arith.constant dense<0.000000e+00> : vector<512x32xf32>
    %dot_general3A_54 = tpu.matmul %max3A_52, %get3A_15, %dot_general3A_53 {dimension_numbers = #tpu.dot_dimension_numbers<[1], [0], [0], [1], [0, 0, 1, 1], [], []>, transpose_lhs_hint = false} : vector<512x16xf32>, vector<16x32xf32>, vector<512x32xf32> -> vector<512x32xf32>
    %add3A_55 = vector.broadcast %get3A_18 : vector<1x32xf32> to vector<512x32xf32>
    %add3A_56 = arith.addf %dot_general3A_54, %add3A_55 : vector<512x32xf32>
    %max3A_57 = arith.constant 0.000000e+00 : f32
    %max3A_58 = vector.broadcast %max3A_57 : f32 to vector<512x32xf32>
    %max3A_59 = arith.maximumf %add3A_56, %max3A_58 : vector<512x32xf32>
    %add3A_60 = arith.addf %add3A_39, %max3A_59 : vector<512x32xf32>
    %max3A_61 = arith.maximumf %max3A_40, %max3A_59 : vector<512x32xf32>
    %get3A_62 = arith.constant 2 : index
    %get3A_63 = arith.constant 0 : index
    %get3A_64 = arith.constant 0 : index
    %get3A_65 = vector.load %arg2[%get3A_62, %get3A_63, %get3A_64] : memref<4x512x16xf32, #tpu.memory_space<vmem>>, vector<1x512x16xf32>
    %get3A_66 = vector.shape_cast %get3A_65 : vector<1x512x16xf32> to vector<512x16xf32>
    %slice3A_67 = vector.extract_strided_slice %get3A_66 {offsets = [0, 0], sizes = [512, 5], strides = [1, 1]} : vector<512x16xf32> to vector<512x5xf32>
    %dot_general3A_68 = arith.constant dense<0.000000e+00> : vector<512x16xf32>
    %dot_general3A_69 = tpu.matmul %slice3A_67, %get3A_7, %dot_general3A_68 {dimension_numbers = #tpu.dot_dimension_numbers<[1], [0], [0], [1], [0, 0, 1, 1], [], []>, transpose_lhs_hint = false} : vector<512x5xf32>, vector<5x16xf32>, vector<512x16xf32> -> vector<512x16xf32>
    %add3A_70 = arith.addf %add3A_12, %dot_general3A_69 : vector<512x16xf32>
    %max3A_71 = arith.constant 0.000000e+00 : f32
    %max3A_72 = vector.broadcast %max3A_71 : f32 to vector<512x16xf32>
    %max3A_73 = arith.maximumf %add3A_70, %max3A_72 : vector<512x16xf32>
    %dot_general3A_74 = arith.constant dense<0.000000e+00> : vector<512x32xf32>
    %dot_general3A_75 = tpu.matmul %max3A_73, %get3A_15, %dot_general3A_74 {dimension_numbers = #tpu.dot_dimension_numbers<[1], [0], [0], [1], [0, 0, 1, 1], [], []>, transpose_lhs_hint = false} : vector<512x16xf32>, vector<16x32xf32>, vector<512x32xf32> -> vector<512x32xf32>
    %add3A_76 = vector.broadcast %get3A_18 : vector<1x32xf32> to vector<512x32xf32>
    %add3A_77 = arith.addf %dot_general3A_75, %add3A_76 : vector<512x32xf32>
    %max3A_78 = arith.constant 0.000000e+00 : f32
    %max3A_79 = vector.broadcast %max3A_78 : f32 to vector<512x32xf32>
    %max3A_80 = arith.maximumf %add3A_77, %max3A_79 : vector<512x32xf32>
    %add3A_81 = arith.addf %add3A_60, %max3A_80 : vector<512x32xf32>
    %max3A_82 = arith.maximumf %max3A_61, %max3A_80 : vector<512x32xf32>
    %get3A_83 = arith.constant 3 : index
    %get3A_84 = arith.constant 0 : index
    %get3A_85 = arith.constant 0 : index
    %get3A_86 = vector.load %arg2[%get3A_83, %get3A_84, %get3A_85] : memref<4x512x16xf32, #tpu.memory_space<vmem>>, vector<1x512x16xf32>
    %get3A_87 = vector.shape_cast %get3A_86 : vector<1x512x16xf32> to vector<512x16xf32>
    %slice3A_88 = vector.extract_strided_slice %get3A_87 {offsets = [0, 0], sizes = [512, 5], strides = [1, 1]} : vector<512x16xf32> to vector<512x5xf32>
    %dot_general3A_89 = arith.constant dense<0.000000e+00> : vector<512x16xf32>
    %dot_general3A_90 = tpu.matmul %slice3A_88, %get3A_7, %dot_general3A_89 {dimension_numbers = #tpu.dot_dimension_numbers<[1], [0], [0], [1], [0, 0, 1, 1], [], []>, transpose_lhs_hint = false} : vector<512x5xf32>, vector<5x16xf32>, vector<512x16xf32> -> vector<512x16xf32>
    %add3A_91 = arith.addf %add3A_12, %dot_general3A_90 : vector<512x16xf32>
    %max3A_92 = arith.constant 0.000000e+00 : f32
    %max3A_93 = vector.broadcast %max3A_92 : f32 to vector<512x16xf32>
    %max3A_94 = arith.maximumf %add3A_91, %max3A_93 : vector<512x16xf32>
    %dot_general3A_95 = arith.constant dense<0.000000e+00> : vector<512x32xf32>
    %dot_general3A_96 = tpu.matmul %max3A_94, %get3A_15, %dot_general3A_95 {dimension_numbers = #tpu.dot_dimension_numbers<[1], [0], [0], [1], [0, 0, 1, 1], [], []>, transpose_lhs_hint = false} : vector<512x16xf32>, vector<16x32xf32>, vector<512x32xf32> -> vector<512x32xf32>
    %add3A_97 = vector.broadcast %get3A_18 : vector<1x32xf32> to vector<512x32xf32>
    %add3A_98 = arith.addf %dot_general3A_96, %add3A_97 : vector<512x32xf32>
    %max3A_99 = arith.constant 0.000000e+00 : f32
    %max3A_100 = vector.broadcast %max3A_99 : f32 to vector<512x32xf32>
    %max3A_101 = arith.maximumf %add3A_98, %max3A_100 : vector<512x32xf32>
    %add3A_102 = arith.addf %add3A_81, %max3A_101 : vector<512x32xf32>
    %max3A_103 = arith.maximumf %max3A_82, %max3A_101 : vector<512x32xf32>
    %mul3A = arith.constant 2.500000e-01 : f32
    %mul3A_104 = vector.broadcast %mul3A : f32 to vector<512x32xf32>
    %mul3A_105 = arith.mulf %add3A_102, %mul3A_104 : vector<512x32xf32>
    %concatenate3A = tpu.concatenate %max3A_103, %mul3A_105, %add3A_102 in 1 : vector<512x32xf32>, vector<512x32xf32>, vector<512x32xf32> -> vector<512x96xf32>
    %max3A_106 = arith.constant 0.000000e+00 : f32
    %max3A_107 = vector.broadcast %max3A_106 : f32 to vector<512x96xf32>
    %max3A_108 = arith.maximumf %concatenate3A, %max3A_107 : vector<512x96xf32>
    %get3A_109 = arith.constant 0 : index
    %get3A_110 = arith.constant 0 : index
    %get3A_111 = vector.load %arg7[%get3A_109, %get3A_110] : memref<96x64xf32, #tpu.memory_space<vmem>>, vector<96x64xf32>
    %dot_general3A_112 = arith.constant dense<0.000000e+00> : vector<512x64xf32>
    %dot_general3A_113 = tpu.matmul %max3A_108, %get3A_111, %dot_general3A_112 {dimension_numbers = #tpu.dot_dimension_numbers<[1], [0], [0], [1], [0, 0, 1, 1], [], []>, transpose_lhs_hint = false} : vector<512x96xf32>, vector<96x64xf32>, vector<512x64xf32> -> vector<512x64xf32>
    %get3A_114 = arith.constant 0 : index
    %get3A_115 = arith.constant 0 : index
    %get3A_116 = vector.load %arg8[%get3A_114, %get3A_115] : memref<1x64xf32, #tpu.memory_space<vmem>>, vector<1x64xf32>
    %add3A_117 = vector.broadcast %get3A_116 : vector<1x64xf32> to vector<512x64xf32>
    %add3A_118 = arith.addf %dot_general3A_113, %add3A_117 : vector<512x64xf32>
    %max3A_119 = arith.constant 0.000000e+00 : f32
    %max3A_120 = vector.broadcast %max3A_119 : f32 to vector<512x64xf32>
    %max3A_121 = arith.maximumf %add3A_118, %max3A_120 : vector<512x64xf32>
    %get3A_122 = arith.constant 0 : index
    %get3A_123 = arith.constant 0 : index
    %get3A_124 = vector.load %arg9[%get3A_122, %get3A_123] : memref<64x32xf32, #tpu.memory_space<vmem>>, vector<64x32xf32>
    %dot_general3A_125 = arith.constant dense<0.000000e+00> : vector<512x32xf32>
    %dot_general3A_126 = tpu.matmul %max3A_121, %get3A_124, %dot_general3A_125 {dimension_numbers = #tpu.dot_dimension_numbers<[1], [0], [0], [1], [0, 0, 1, 1], [], []>, transpose_lhs_hint = false} : vector<512x64xf32>, vector<64x32xf32>, vector<512x32xf32> -> vector<512x32xf32>
    %get3A_127 = arith.constant 0 : index
    %get3A_128 = arith.constant 0 : index
    %get3A_129 = vector.load %arg10[%get3A_127, %get3A_128] : memref<1x32xf32, #tpu.memory_space<vmem>>, vector<1x32xf32>
    %add3A_130 = vector.broadcast %get3A_129 : vector<1x32xf32> to vector<512x32xf32>
    %add3A_131 = arith.addf %dot_general3A_126, %add3A_130 : vector<512x32xf32>
    %swap3A = arith.constant 0 : index
    %swap3A_132 = arith.constant 0 : index
    %swap3A_133 = vector.load %arg11[%swap3A, %swap3A_132] : memref<512x32xf32, #tpu.memory_space<vmem>>, vector<512x32xf32>
    tpu.vector_store %arg11[%swap3A, %swap3A_132], %add3A_131 {strides = array<i32>} : memref<512x32xf32, #tpu.memory_space<vmem>>, vector<512x32xf32>,
    return
  }
  func.func @transform_0(%arg0: i32) -> (i32, i32) {
    %c0_i32 = arith.constant 0 : i32
    %c0_i32_0 = arith.constant 0 : i32
    return %arg0, %c0_i32 : i32, i32
  }
  func.func @transform_1(%arg0: i32) -> (i32, i32, i32) {
    %c0_i32 = arith.constant 0 : i32
    %c0_i32_0 = arith.constant 0 : i32
    %c0_i32_1 = arith.constant 0 : i32
    return %c0_i32, %arg0, %c0_i32_0 : i32, i32, i32
  }
  func.func @transform_2(%arg0: i32) -> (i32, i32) {
    %c0_i32 = arith.constant 0 : i32
    %c0_i32_0 = arith.constant 0 : i32
    %c0_i32_1 = arith.constant 0 : i32
    return %c0_i32, %c0_i32_0 : i32, i32
  }
  func.func @transform_3(%arg0: i32) -> (i32, i32) {
    %c0_i32 = arith.constant 0 : i32
    %c0_i32_0 = arith.constant 0 : i32
    %c0_i32_1 = arith.constant 0 : i32
    return %c0_i32, %c0_i32_0 : i32, i32
  }
  func.func @transform_4(%arg0: i32) -> (i32, i32) {
    %c0_i32 = arith.constant 0 : i32
    %c0_i32_0 = arith.constant 0 : i32
    %c0_i32_1 = arith.constant 0 : i32
    return %c0_i32, %c0_i32_0 : i32, i32
  }
  func.func @transform_5(%arg0: i32) -> (i32, i32) {
    %c0_i32 = arith.constant 0 : i32
    %c0_i32_0 = arith.constant 0 : i32
    %c0_i32_1 = arith.constant 0 : i32
    return %c0_i32, %c0_i32_0 : i32, i32
  }
  func.func @transform_6(%arg0: i32) -> (i32, i32) {
    %c0_i32 = arith.constant 0 : i32
    %c0_i32_0 = arith.constant 0 : i32
    %c0_i32_1 = arith.constant 0 : i32
    return %c0_i32, %c0_i32_0 : i32, i32
  }
  func.func @transform_7(%arg0: i32) -> (i32, i32) {
    %c0_i32 = arith.constant 0 : i32
    %c0_i32_0 = arith.constant 0 : i32
    %c0_i32_1 = arith.constant 0 : i32
    return %c0_i32, %c0_i32_0 : i32, i32
  }
  func.func @transform_8(%arg0: i32) -> (i32, i32) {
    %c0_i32 = arith.constant 0 : i32
    %c0_i32_0 = arith.constant 0 : i32
    %c0_i32_1 = arith.constant 0 : i32
    return %c0_i32, %c0_i32_0 : i32, i32
  }
  func.func @transform_9(%arg0: i32) -> (i32, i32) {
    %c0_i32 = arith.constant 0 : i32
    %c0_i32_0 = arith.constant 0 : i32
    %c0_i32_1 = arith.constant 0 : i32
    return %c0_i32, %c0_i32_0 : i32, i32
  }
  func.func @transform_10(%arg0: i32) -> (i32, i32) {
    %c0_i32 = arith.constant 0 : i32
    %c0_i32_0 = arith.constant 0 : i32
    return %arg0, %c0_i32 : i32, i32
  }
}

module attributes {stable_mosaic.version = 14 : i64} {
  func.func @_pool_body(%arg0: memref<64xi32, #tpu.memory_space<smem>>, %arg1: memref<64xi32, #tpu.memory_space<smem>>, %arg2: memref<40x256x32xf32, #tpu.memory_space<vmem>>, %arg3: memref<128x16xf32, #tpu.memory_space<vmem>>, %arg4: memref<1x16xf32, #tpu.memory_space<vmem>>, %arg5: memref<16x1xf32, #tpu.memory_space<vmem>>, %arg6: memref<1x1xf32, #tpu.memory_space<vmem>>, %arg7: memref<64x1xf32, #tpu.memory_space<vmem>>) attributes {dimension_semantics = [], scalar_prefetch = 0 : i64, scratch_operands = 0 : i64, tpu.core_type = #tpu.core_type<tc>} {
    %iota3A = tpu.iota {dimensions = array<i32: 0>} : vector<64x1xi32>
    %iota3A_0 = tpu.iota {dimensions = array<i32: 0>} : vector<256x1xi32>
    %broadcast_in_dim3A = arith.constant 0.000000e+00 : f32
    %broadcast_in_dim3A_1 = vector.broadcast %broadcast_in_dim3A : f32 to vector<64x128xf32>
    %scan3A = arith.constant 0 : i32
    %scan3A_2 = arith.constant 64 : i32
    %scan3A_3 = arith.addi %scan3A, %scan3A_2 : i32
    %scan3A_4 = arith.constant 1 : i32
    %scan3A_5 = scf.for %scan3A_31 = %scan3A to %scan3A_3 step %scan3A_4 iter_args(%scan3A_32 = %broadcast_in_dim3A_1) -> (vector<64x128xf32>)  : i32 {
      %get3A_33 = arith.index_cast %scan3A_31 : i32 to index
      %get3A_34 = memref.load %arg0[%get3A_33] : memref<64xi32, #tpu.memory_space<smem>>
      %get3A_35 = arith.index_cast %scan3A_31 : i32 to index
      %get3A_36 = memref.load %arg1[%get3A_35] : memref<64xi32, #tpu.memory_space<smem>>
      %jit3A = arith.constant 256 : i32
      %div3A = arith.divsi %get3A_34, %jit3A : i32
      %sign3A = arith.constant 0 : i32
      %sign3A_37 = arith.cmpi sgt, %get3A_34, %sign3A : i32
      %sign3A_38 = arith.extui %sign3A_37 : i1 to i32
      %sign3A_39 = arith.constant 0 : i32
      %sign3A_40 = arith.cmpi slt, %get3A_34, %sign3A_39 : i32
      %sign3A_41 = arith.extui %sign3A_40 : i1 to i32
      %sign3A_42 = arith.subi %sign3A_38, %sign3A_41 : i32
      %sign3A_43 = arith.constant 0 : i32
      %sign3A_44 = arith.cmpi sgt, %jit3A, %sign3A_43 : i32
      %sign3A_45 = arith.extui %sign3A_44 : i1 to i32
      %sign3A_46 = arith.constant 0 : i32
      %sign3A_47 = arith.cmpi slt, %jit3A, %sign3A_46 : i32
      %sign3A_48 = arith.extui %sign3A_47 : i1 to i32
      %sign3A_49 = arith.subi %sign3A_45, %sign3A_48 : i32
      %ne3A = arith.cmpi ne, %sign3A_42, %sign3A_49 : i32
      %rem3A = arith.remsi %get3A_34, %jit3A : i32
      %ne3A_50 = arith.constant 0 : i32
      %ne3A_51 = arith.cmpi ne, %rem3A, %ne3A_50 : i32
      %and3A = arith.andi %ne3A, %ne3A_51 : i1
      %sub3A = arith.constant 1 : i32
      %sub3A_52 = arith.subi %div3A, %sub3A : i32
      %select_n3A = arith.select %and3A, %sub3A_52, %div3A : i32
      %gt3A = arith.cmpi sgt, %get3A_36, %get3A_34 : i32
      %mul3A = arith.constant 256 : i32
      %mul3A_53 = arith.muli %select_n3A, %mul3A : i32
      %sub3A_54 = arith.subi %get3A_36, %mul3A_53 : i32
      %add3A_55 = arith.constant 256 : i32
      %add3A_56 = arith.addi %sub3A_54, %add3A_55 : i32
      %sub3A_57 = arith.constant 1 : i32
      %sub3A_58 = arith.subi %add3A_56, %sub3A_57 : i32
      %jit3A_59 = arith.constant 256 : i32
      %div3A_60 = arith.divsi %sub3A_58, %jit3A_59 : i32
      %sign3A_61 = arith.constant 0 : i32
      %sign3A_62 = arith.cmpi sgt, %sub3A_58, %sign3A_61 : i32
      %sign3A_63 = arith.extui %sign3A_62 : i1 to i32
      %sign3A_64 = arith.constant 0 : i32
      %sign3A_65 = arith.cmpi slt, %sub3A_58, %sign3A_64 : i32
      %sign3A_66 = arith.extui %sign3A_65 : i1 to i32
      %sign3A_67 = arith.subi %sign3A_63, %sign3A_66 : i32
      %sign3A_68 = arith.constant 0 : i32
      %sign3A_69 = arith.cmpi sgt, %jit3A_59, %sign3A_68 : i32
      %sign3A_70 = arith.extui %sign3A_69 : i1 to i32
      %sign3A_71 = arith.constant 0 : i32
      %sign3A_72 = arith.cmpi slt, %jit3A_59, %sign3A_71 : i32
      %sign3A_73 = arith.extui %sign3A_72 : i1 to i32
      %sign3A_74 = arith.subi %sign3A_70, %sign3A_73 : i32
      %ne3A_75 = arith.cmpi ne, %sign3A_67, %sign3A_74 : i32
      %rem3A_76 = arith.remsi %sub3A_58, %jit3A_59 : i32
      %ne3A_77 = arith.constant 0 : i32
      %ne3A_78 = arith.cmpi ne, %rem3A_76, %ne3A_77 : i32
      %and3A_79 = arith.andi %ne3A_75, %ne3A_78 : i1
      %sub3A_80 = arith.constant 1 : i32
      %sub3A_81 = arith.subi %div3A_60, %sub3A_80 : i32
      %select_n3A_82 = arith.select %and3A_79, %sub3A_81, %div3A_60 : i32
      %select_n3A_83 = arith.constant 0 : i32
      %select_n3A_84 = arith.select %gt3A, %select_n3A_82, %select_n3A_83 : i32
      %broadcast_in_dim3A_85 = arith.constant -3.000000e+38 : f32
      %broadcast_in_dim3A_86 = vector.broadcast %broadcast_in_dim3A_85 : f32 to vector<1x32xf32>
      %broadcast_in_dim3A_87 = arith.constant 3.000000e+38 : f32
      %broadcast_in_dim3A_88 = vector.broadcast %broadcast_in_dim3A_87 : f32 to vector<1x32xf32>
      %broadcast_in_dim3A_89 = arith.constant 0.000000e+00 : f32
      %broadcast_in_dim3A_90 = vector.broadcast %broadcast_in_dim3A_89 : f32 to vector<1x32xf32>
      %while3A = arith.constant 0 : i32
      %while3A_91 = arith.subi %select_n3A_84, %while3A : i32
      %while3A_92 = arith.addi %while3A, %while3A_91 : i32
      %while3A_93 = arith.constant 1 : i32
      %while3A_94 = arith.divsi %while3A_91, %while3A_93 : i32
      %while3A_95 = arith.muli %while3A_94, %while3A_93 : i32
      %while3A_96 = arith.addi %while3A, %while3A_95 : i32
      %while3A_97 = arith.constant 1 : i32
      %while3A_98:3 = scf.for %while3A_112 = %while3A to %while3A_96 step %while3A_97 iter_args(%while3A_113 = %broadcast_in_dim3A_86, %while3A_114 = %broadcast_in_dim3A_88, %while3A_115 = %broadcast_in_dim3A_90) -> (vector<1x32xf32>, vector<1x32xf32>, vector<1x32xf32>)  : i32 {
        %add3A_116 = arith.addi %select_n3A, %while3A_112 : i32
        %get3A_117 = arith.index_cast %add3A_116 : i32 to index
        %get3A_118 = arith.constant 0 : index
        %get3A_119 = arith.constant 0 : index
        %get3A_120 = vector.load %arg2[%get3A_117, %get3A_118, %get3A_119] : memref<40x256x32xf32, #tpu.memory_space<vmem>>, vector<1x256x32xf32>
        %get3A_121 = vector.shape_cast %get3A_120 : vector<1x256x32xf32> to vector<256x32xf32>
        %mul3A_122 = arith.constant 256 : i32
        %mul3A_123 = arith.muli %add3A_116, %mul3A_122 : i32
        %add3A_124 = vector.broadcast %mul3A_123 : i32 to vector<256x1xi32>
        %add3A_125 = arith.addi %add3A_124, %iota3A_0 : vector<256x1xi32>
        %ge3A = vector.broadcast %get3A_34 : i32 to vector<256x1xi32>
        %ge3A_126 = arith.cmpi sge, %add3A_125, %ge3A : vector<256x1xi32>
        %lt3A = vector.broadcast %get3A_36 : i32 to vector<256x1xi32>
        %lt3A_127 = arith.cmpi slt, %add3A_125, %lt3A : vector<256x1xi32>
        %and3A_128 = arith.andi %ge3A_126, %lt3A_127 : vector<256x1xi1>
        %jit3A_129 = arith.constant -3.000000e+38 : f32
        %broadcast_in_dim3A_130 = vector.shape_cast %and3A_128 : vector<256x1xi1> to vector<256x1xi1>
        %broadcast_in_dim3A_131 = vector.broadcast %broadcast_in_dim3A_130 : vector<256x1xi1> to vector<256x32xi1>
        %broadcast_in_dim3A_132 = vector.broadcast %jit3A_129 : f32 to vector<256x32xf32>
        %select_n3A_133 = arith.select %broadcast_in_dim3A_131, %get3A_121, %broadcast_in_dim3A_132 : vector<256x32xi1>, vector<256x32xf32>
        %reduce_max3A = arith.constant dense<0xFF800000> : vector<32xf32>
        %reduce_max3A_134 = vector.multi_reduction <maximumf>, %select_n3A_133, %reduce_max3A [0] : vector<256x32xf32> to vector<32xf32>
        %broadcast_in_dim3A_135 = vector.shape_cast %reduce_max3A_134 : vector<32xf32> to vector<1x32xf32>
        %max3A_136 = arith.maximumf %while3A_113, %broadcast_in_dim3A_135 : vector<1x32xf32>
        %jit3A_137 = arith.constant 3.000000e+38 : f32
        %broadcast_in_dim3A_138 = vector.shape_cast %and3A_128 : vector<256x1xi1> to vector<256x1xi1>
        %broadcast_in_dim3A_139 = vector.broadcast %broadcast_in_dim3A_138 : vector<256x1xi1> to vector<256x32xi1>
        %broadcast_in_dim3A_140 = vector.broadcast %jit3A_137 : f32 to vector<256x32xf32>
        %select_n3A_141 = arith.select %broadcast_in_dim3A_139, %get3A_121, %broadcast_in_dim3A_140 : vector<256x32xi1>, vector<256x32xf32>
        %reduce_min3A = arith.constant dense<0x7F800000> : vector<32xf32>
        %reduce_min3A_142 = vector.multi_reduction <minimumf>, %select_n3A_141, %reduce_min3A [0] : vector<256x32xf32> to vector<32xf32>
        %broadcast_in_dim3A_143 = vector.shape_cast %reduce_min3A_142 : vector<32xf32> to vector<1x32xf32>
        %min3A = arith.minimumf %while3A_114, %broadcast_in_dim3A_143 : vector<1x32xf32>
        %jit3A_144 = arith.constant 0.000000e+00 : f32
        %broadcast_in_dim3A_145 = vector.shape_cast %and3A_128 : vector<256x1xi1> to vector<256x1xi1>
        %broadcast_in_dim3A_146 = vector.broadcast %broadcast_in_dim3A_145 : vector<256x1xi1> to vector<256x32xi1>
        %broadcast_in_dim3A_147 = vector.broadcast %jit3A_144 : f32 to vector<256x32xf32>
        %select_n3A_148 = arith.select %broadcast_in_dim3A_146, %get3A_121, %broadcast_in_dim3A_147 : vector<256x32xi1>, vector<256x32xf32>
        %reduce_sum3A = arith.constant dense<0.000000e+00> : vector<32xf32>
        %reduce_sum3A_149 = vector.multi_reduction <add>, %select_n3A_148, %reduce_sum3A [0] : vector<256x32xf32> to vector<32xf32>
        %broadcast_in_dim3A_150 = vector.shape_cast %reduce_sum3A_149 : vector<32xf32> to vector<1x32xf32>
        %add3A_151 = arith.addf %while3A_115, %broadcast_in_dim3A_150 : vector<1x32xf32>
        scf.yield %max3A_136, %min3A, %add3A_151 : vector<1x32xf32>, vector<1x32xf32>, vector<1x32xf32>
      }
      %while3A_99 = arith.constant 1 : i32
      %while3A_100:3 = scf.for %while3A_112 = %while3A_96 to %while3A_92 step %while3A_99 iter_args(%while3A_113 = %while3A_98#0, %while3A_114 = %while3A_98#1, %while3A_115 = %while3A_98#2) -> (vector<1x32xf32>, vector<1x32xf32>, vector<1x32xf32>)  : i32 {
        %add3A_116 = arith.addi %select_n3A, %while3A_112 : i32
        %get3A_117 = arith.index_cast %add3A_116 : i32 to index
        %get3A_118 = arith.constant 0 : index
        %get3A_119 = arith.constant 0 : index
        %get3A_120 = vector.load %arg2[%get3A_117, %get3A_118, %get3A_119] : memref<40x256x32xf32, #tpu.memory_space<vmem>>, vector<1x256x32xf32>
        %get3A_121 = vector.shape_cast %get3A_120 : vector<1x256x32xf32> to vector<256x32xf32>
        %mul3A_122 = arith.constant 256 : i32
        %mul3A_123 = arith.muli %add3A_116, %mul3A_122 : i32
        %add3A_124 = vector.broadcast %mul3A_123 : i32 to vector<256x1xi32>
        %add3A_125 = arith.addi %add3A_124, %iota3A_0 : vector<256x1xi32>
        %ge3A = vector.broadcast %get3A_34 : i32 to vector<256x1xi32>
        %ge3A_126 = arith.cmpi sge, %add3A_125, %ge3A : vector<256x1xi32>
        %lt3A = vector.broadcast %get3A_36 : i32 to vector<256x1xi32>
        %lt3A_127 = arith.cmpi slt, %add3A_125, %lt3A : vector<256x1xi32>
        %and3A_128 = arith.andi %ge3A_126, %lt3A_127 : vector<256x1xi1>
        %jit3A_129 = arith.constant -3.000000e+38 : f32
        %broadcast_in_dim3A_130 = vector.shape_cast %and3A_128 : vector<256x1xi1> to vector<256x1xi1>
        %broadcast_in_dim3A_131 = vector.broadcast %broadcast_in_dim3A_130 : vector<256x1xi1> to vector<256x32xi1>
        %broadcast_in_dim3A_132 = vector.broadcast %jit3A_129 : f32 to vector<256x32xf32>
        %select_n3A_133 = arith.select %broadcast_in_dim3A_131, %get3A_121, %broadcast_in_dim3A_132 : vector<256x32xi1>, vector<256x32xf32>
        %reduce_max3A = arith.constant dense<0xFF800000> : vector<32xf32>
        %reduce_max3A_134 = vector.multi_reduction <maximumf>, %select_n3A_133, %reduce_max3A [0] : vector<256x32xf32> to vector<32xf32>
        %broadcast_in_dim3A_135 = vector.shape_cast %reduce_max3A_134 : vector<32xf32> to vector<1x32xf32>
        %max3A_136 = arith.maximumf %while3A_113, %broadcast_in_dim3A_135 : vector<1x32xf32>
        %jit3A_137 = arith.constant 3.000000e+38 : f32
        %broadcast_in_dim3A_138 = vector.shape_cast %and3A_128 : vector<256x1xi1> to vector<256x1xi1>
        %broadcast_in_dim3A_139 = vector.broadcast %broadcast_in_dim3A_138 : vector<256x1xi1> to vector<256x32xi1>
        %broadcast_in_dim3A_140 = vector.broadcast %jit3A_137 : f32 to vector<256x32xf32>
        %select_n3A_141 = arith.select %broadcast_in_dim3A_139, %get3A_121, %broadcast_in_dim3A_140 : vector<256x32xi1>, vector<256x32xf32>
        %reduce_min3A = arith.constant dense<0x7F800000> : vector<32xf32>
        %reduce_min3A_142 = vector.multi_reduction <minimumf>, %select_n3A_141, %reduce_min3A [0] : vector<256x32xf32> to vector<32xf32>
        %broadcast_in_dim3A_143 = vector.shape_cast %reduce_min3A_142 : vector<32xf32> to vector<1x32xf32>
        %min3A = arith.minimumf %while3A_114, %broadcast_in_dim3A_143 : vector<1x32xf32>
        %jit3A_144 = arith.constant 0.000000e+00 : f32
        %broadcast_in_dim3A_145 = vector.shape_cast %and3A_128 : vector<256x1xi1> to vector<256x1xi1>
        %broadcast_in_dim3A_146 = vector.broadcast %broadcast_in_dim3A_145 : vector<256x1xi1> to vector<256x32xi1>
        %broadcast_in_dim3A_147 = vector.broadcast %jit3A_144 : f32 to vector<256x32xf32>
        %select_n3A_148 = arith.select %broadcast_in_dim3A_146, %get3A_121, %broadcast_in_dim3A_147 : vector<256x32xi1>, vector<256x32xf32>
        %reduce_sum3A = arith.constant dense<0.000000e+00> : vector<32xf32>
        %reduce_sum3A_149 = vector.multi_reduction <add>, %select_n3A_148, %reduce_sum3A [0] : vector<256x32xf32> to vector<32xf32>
        %broadcast_in_dim3A_150 = vector.shape_cast %reduce_sum3A_149 : vector<32xf32> to vector<1x32xf32>
        %add3A_151 = arith.addf %while3A_115, %broadcast_in_dim3A_150 : vector<1x32xf32>
        scf.yield %max3A_136, %min3A, %add3A_151 : vector<1x32xf32>, vector<1x32xf32>, vector<1x32xf32>
      }
      %sub3A_101 = arith.subi %get3A_36, %get3A_34 : i32
      %convert_element_type3A = arith.sitofp %sub3A_101 : i32 to f32
      %max3A_102 = arith.constant 1.000000e+00 : f32
      %max3A_103 = arith.maximumf %convert_element_type3A, %max3A_102 : f32
      %div3A_104 = vector.broadcast %max3A_103 : f32 to vector<1x32xf32>
      %div3A_105 = arith.divf %while3A_100#2, %div3A_104 : vector<1x32xf32>
      %concatenate3A = tpu.concatenate %while3A_100#0, %while3A_100#1, %while3A_100#2, %div3A_105 in 1 : vector<1x32xf32>, vector<1x32xf32>, vector<1x32xf32>, vector<1x32xf32> -> vector<1x128xf32>
      %eq3A = vector.broadcast %scan3A_31 : i32 to vector<64x1xi32>
      %eq3A_106 = arith.cmpi eq, %iota3A, %eq3A : vector<64x1xi32>
      %broadcast_in_dim3A_107 = vector.shape_cast %eq3A_106 : vector<64x1xi1> to vector<64x1xi1>
      %broadcast_in_dim3A_108 = vector.broadcast %broadcast_in_dim3A_107 : vector<64x1xi1> to vector<64x128xi1>
      %broadcast_in_dim3A_109 = vector.shape_cast %concatenate3A : vector<1x128xf32> to vector<1x128xf32>
      %broadcast_in_dim3A_110 = vector.broadcast %broadcast_in_dim3A_109 : vector<1x128xf32> to vector<64x128xf32>
      %select_n3A_111 = arith.select %broadcast_in_dim3A_108, %broadcast_in_dim3A_110, %scan3A_32 : vector<64x128xi1>, vector<64x128xf32>
      scf.yield %select_n3A_111 : vector<64x128xf32>
    }
    %scan3A_6 = arith.constant 64 : i32
    %max3A = arith.constant 0.000000e+00 : f32
    %max3A_7 = vector.broadcast %max3A : f32 to vector<64x128xf32>
    %max3A_8 = arith.maximumf %scan3A_5, %max3A_7 : vector<64x128xf32>
    %get3A = arith.constant 0 : index
    %get3A_9 = arith.constant 0 : index
    %get3A_10 = vector.load %arg3[%get3A, %get3A_9] : memref<128x16xf32, #tpu.memory_space<vmem>>, vector<128x16xf32>
    %dot_general3A = arith.constant dense<0.000000e+00> : vector<64x16xf32>
    %dot_general3A_11 = tpu.matmul %max3A_8, %get3A_10, %dot_general3A {dimension_numbers = #tpu.dot_dimension_numbers<[1], [0], [0], [1], [0, 0, 1, 1], [], []>, transpose_lhs_hint = false} : vector<64x128xf32>, vector<128x16xf32>, vector<64x16xf32> -> vector<64x16xf32>
    %get3A_12 = arith.constant 0 : index
    %get3A_13 = arith.constant 0 : index
    %get3A_14 = vector.load %arg4[%get3A_12, %get3A_13] : memref<1x16xf32, #tpu.memory_space<vmem>>, vector<1x16xf32>
    %add3A = vector.broadcast %get3A_14 : vector<1x16xf32> to vector<64x16xf32>
    %add3A_15 = arith.addf %dot_general3A_11, %add3A : vector<64x16xf32>
    %max3A_16 = arith.constant 0.000000e+00 : f32
    %max3A_17 = vector.broadcast %max3A_16 : f32 to vector<64x16xf32>
    %max3A_18 = arith.maximumf %add3A_15, %max3A_17 : vector<64x16xf32>
    %get3A_19 = arith.constant 0 : index
    %get3A_20 = arith.constant 0 : index
    %get3A_21 = vector.load %arg5[%get3A_19, %get3A_20] : memref<16x1xf32, #tpu.memory_space<vmem>>, vector<16x1xf32>
    %dot_general3A_22 = arith.constant dense<0.000000e+00> : vector<64x1xf32>
    %dot_general3A_23 = tpu.matmul %max3A_18, %get3A_21, %dot_general3A_22 {dimension_numbers = #tpu.dot_dimension_numbers<[1], [0], [0], [1], [0, 0, 1, 1], [], []>, transpose_lhs_hint = false} : vector<64x16xf32>, vector<16x1xf32>, vector<64x1xf32> -> vector<64x1xf32>
    %get3A_24 = arith.constant 0 : index
    %get3A_25 = arith.constant 0 : index
    %get3A_26 = vector.load %arg6[%get3A_24, %get3A_25] : memref<1x1xf32, #tpu.memory_space<vmem>>, vector<1x1xf32>
    %add3A_27 = vector.broadcast %get3A_26 : vector<1x1xf32> to vector<64x1xf32>
    %add3A_28 = arith.addf %dot_general3A_23, %add3A_27 : vector<64x1xf32>
    %swap3A = arith.constant 0 : index
    %swap3A_29 = arith.constant 0 : index
    %swap3A_30 = vector.load %arg7[%swap3A, %swap3A_29] : memref<64x1xf32, #tpu.memory_space<vmem>>, vector<64x1xf32>
    tpu.vector_store %arg7[%swap3A, %swap3A_29], %add3A_28 {strides = array<i32>} : memref<64x1xf32, #tpu.memory_space<vmem>>, vector<64x1xf32>,
    return
  }
}

</mosaic_0001>

<sc_bundles>
// kernel: kernel.6.cloned.1.call-start
scs
__scs_entry_jumppad:
0x0: {  	(pc) =	sbr.rel $0x88, $3  }
0x1: {  	(tag) =	ssettag $0x0;
	lr =	simm.s32 $0x1  }
0x2: {  	[smem:$0x3F93] =	sst lr;
	_ =	strace $0xD0000000  }
0x3: {  	_ = 	snop  }
0x4: {  	_ = 	snop  }
0x5: {  	_ = 	snop  }
0x6: {  	_ = 	snop  }
0x7: {  	_ = 	snop  }
__scs_overlays_trampoline_lowered:
0x8: {  	[smem:$0x3FA2] =	sst s0  }
0x9: {  	[smem:$0x3FA3] =	sst s1  }
0xa: {  	[smem:$0x3FA4] =	sst s2  }
0xb: {  	[smem:$0x3FA5] =	sst s3  }
0xc: {  	[smem:$0x3FA6] =	sst s4  }
0xd: {  	[smem:$0x3FA7] =	sst s5  }
0xe: {  	[smem:$0x3FA8] =	sst s6  }
0xf: {  	[smem:$0x3FA9] =	sst s7  }
0x10: {  	[smem:$0x3FAA] =	sst s8  }
0x11: {  	[smem:$0x3FAB] =	sst s9;
	s0 =	simm.s32 @!p0 $0x0  }
0x12: {  	s1 =	sld [smem:$0x3F91];
	s0 =	simm.s32 @p0 $0x1  }
0x13: {  	[smem:$0x3FAC] =	sst s0;
	s0 =	simm.s32 @!p1 $0x0  }
0x14: {  	s2 =	sld [smem:$0x3F90];
	s0 =	simm.s32 @p1 $0x1  }
0x15: {  	[smem:$0x3FAD] =	sst s0;
	s0 =	simm.s32 @!p2 $0x0  }
0x16: {  	s3 =	sld [smem:$0x3FDB];
	s0 =	simm.s32 @p2 $0x1  }
0x17: {  	s4 =	simm.s32 $0x1BF5;
	[smem:$0x3FAF] =	sst s0  }
0x18: {  	s0 =	sld [smem:$0x3F92];
	_ =	swait.ge [sflag:s4], $0x0  }
0x19: {  	s7 =	sld [smem:$0x3F93]  }
0x1a: {  	s8 =	sadd.s32 $0xFFFFE003, lr  }
0x1b: {  	s9 =	sadd.s32 $0xFFFFFEF7, lr;
	s5 =	simm.s32 $0xFFFFFFFF;
	p2 =	slt.u32 s8, $0xFFFFF086  }
0x1c: {  	p1 =	slt.u32 s9, $0xF7A;
	s5 =	simm.s32 @!p2 $0x0  }
0x1d: {  	s5 =	simm.s32 @p1 $0x1;
	p0 =	seq.s32 s7, s2  }
0x1e: {  	s7 =	smul.u32 @!p0 $0xF7A, s2;
	p2 =	seq.s32 @!p0 s5, $0x0  }
0x1f: {  	s9 =	smul.u32 $0xF7A, s1;
	s8 =	simm.s32 @!p0 $0x1BF5;
	p2 =	por !p2, p0  }
0x20: {  	[sflag:s8] =	ssyncset.s32 @!p0 $0xFFFFF086;
	s6 =	sadd.s32 @!p0 s3, s7;
	s7 =	simm.s32 @!p0 $0x108  }
0x21: {  	s3 =	sadd.s32 s3, s9;
	s6 =	sadd.s32 @!p0 $0x88, s6;
	s7 =	simm.s32 @p2 $0x1082  }
0x22: {  	[simem:s7], [sflag:s8] =	dma.local @!p0 [hbm:s6], $0xF7A  }
0x23: {  	s9 =	sor.u32 $0xD0000000, s2;
	s6 =	simm.s32 $0x108;
	_ =	swait.ge @!p0 [sflag:s8], $0x0  }
0x24: {  	s3 =	sadd.s32 $0x88, s3;
	s6 =	simm.s32 @!p1 $0x1082;
	[sflag:s4] =	ssyncset.s32 $0xFFFFF086  }
0x25: {  	[simem:s6], [sflag:s4] =	dma.local [hbm:s3], $0xF7A  }
0x26: {  	[smem:$0x3F93] =	sst s1;
	(tag) =	ssettag s2;
	_ =	strace s9  }
0x27: {  	s1 =	sld [smem:$0x3FA3]  }
0x28: {  	s2 =	sld [smem:$0x3FA4]  }
0x29: {  	s4 =	sld [smem:$0x3FA6]  }
0x2a: {  	p0 =	seq.s32 s5, $0x0;
	s5 =	sld [smem:$0x3FA7]  }
0x2b: {  	s6 =	sld [smem:$0x3FA8]  }
0x2c: {  	s7 =	sld [smem:$0x3FA9]  }
0x2d: {  	s3 =	simm.s32 $0x108;
	s8 =	sld [smem:$0x3FAA]  }
0x2e: {  	s3 =	simm.s32 @!p0 $0x1082;
	s9 =	sld [smem:$0x3FAB]  }
0x2f: {  	lr =	sadd.s32 s0, s3;
	s0 =	sld [smem:$0x3FA2]  }
0x30: {  	s3 =	sld [smem:$0x3FA5]  }
0x31: {  	[smem:$0x3FAE] =	sst s10  }
0x32: {  	s10 =	sld [smem:$0x3FAC];
	_ =	sdelay $0x3  }
0x33: {  	p0 =	seq.s32 s10, $0x1;
	s10 =	sld [smem:$0x3FAE];
	_ =	sdelay $0x3  }
0x34: {  	[smem:$0x3FAE] =	sst s10  }
0x35: {  	s10 =	sld [smem:$0x3FAD];
	_ =	sdelay $0x3  }
0x36: {  	p1 =	seq.s32 s10, $0x1;
	s10 =	sld [smem:$0x3FAE];
	_ =	sdelay $0x3  }
0x37: {  	[smem:$0x3FAE] =	sst s10  }
0x38: {  	s10 =	sld [smem:$0x3FAF]  }
0x39: {  	_ = 	snop;
	(pc) =	sbr.ind lr, $3  }
0x3a: {  	_ = 	snop  }
0x3b: {  	_ = 	snop  }
0x3c: {  	p2 =	seq.s32 s10, $0x1;
	s10 =	sld [smem:$0x3FAE]  }
0x3d: {  	_ =	shalt  }
0x3e: {  	_ =	shalt  }
0x3f: {  	_ =	shalt  }
0x40: {  	_ =	shalt  }
0x41: {  	_ =	shalt  }
0x42: {  	_ =	shalt  }
0x43: {  	_ =	shalt  }
0x44: {  	_ =	shalt  }
0x45: {  	_ =	shalt  }
0x46: {  	_ =	shalt  }
0x47: {  	_ =	shalt  }
0x48: {  	_ =	shalt  }
0x49: {  	_ =	shalt  }
0x4a: {  	_ =	shalt  }
0x4b: {  	_ =	shalt  }
0x4c: {  	_ =	shalt  }
0x4d: {  	_ =	shalt  }
0x4e: {  	_ =	shalt  }
0x4f: {  	_ =	shalt  }
0x50: {  	_ =	shalt  }
0x51: {  	_ =	shalt  }
0x52: {  	_ =	shalt  }
0x53: {  	_ =	shalt  }
0x54: {  	_ =	shalt  }
0x55: {  	_ =	shalt  }
0x56: {  	_ =	shalt  }
0x57: {  	_ =	shalt  }
0x58: {  	_ =	shalt  }
0x59: {  	_ =	shalt  }
0x5a: {  	_ =	shalt  }
0x5b: {  	_ =	shalt  }
0x5c: {  	_ =	shalt  }
0x5d: {  	_ =	shalt  }
0x5e: {  	_ =	shalt  }
0x5f: {  	_ =	shalt  }
0x60: {  	_ =	shalt  }
0x61: {  	_ =	shalt  }
0x62: {  	_ =	shalt  }
0x63: {  	_ =	shalt  }
0x64: {  	_ =	shalt  }
0x65: {  	_ =	shalt  }
0x66: {  	_ =	shalt  }
0x67: {  	_ =	shalt  }
0x68: {  	_ =	shalt  }
0x69: {  	_ =	shalt  }
0x6a: {  	_ =	shalt  }
0x6b: {  	_ =	shalt  }
0x6c: {  	_ =	shalt  }
0x6d: {  	_ =	shalt  }
0x6e: {  	_ =	shalt  }
0x6f: {  	_ =	shalt  }
0x70: {  	_ =	shalt  }
0x71: {  	_ =	shalt  }
0x72: {  	_ =	shalt  }
0x73: {  	_ =	shalt  }
0x74: {  	_ =	shalt  }
0x75: {  	_ =	shalt  }
0x76: {  	_ =	shalt  }
0x77: {  	_ =	shalt  }
0x78: {  	_ =	shalt  }
0x79: {  	_ =	shalt  }
0x7a: {  	_ =	shalt  }
0x7b: {  	_ =	shalt  }
0x7c: {  	_ =	shalt  }
0x7d: {  	_ =	shalt  }
0x7e: {  	_ =	shalt  }
0x7f: {  	_ =	shalt  }
0x80: {  	_ =	shalt  }
0x81: {  	_ =	shalt  }
0x82: {  	_ =	shalt  }
0x83: {  	_ =	shalt  }
0x84: {  	_ =	shalt  }
0x85: {  	_ =	shalt  }
0x86: {  	_ =	shalt  }
0x87: {  	_ =	shalt  }
.Lfunc_end0:
.L_simem_size_0:
called_computation_lowered:
.L_overlay_start_0:
0x88: {  	s2 =	sld [smem:$0x3FD9]  }
0x89: {  	s3 =	sld [smem:$0x3FFE];
	_ =	sdelay $0x1  }
0x8a: {  	s1 =	srdreg.scid  }
0x8b: {  	s0 =	sand.u32 $0x1, s1  }
0x8c: {  	s16 =	sshll.u32 s0, $0xA;
	s2 =	sadd.s32 s3, s2  }
0x8d: {  	s2 =	sadd.s32 s2, s16  }
0x8e: {  	[smem:$0x3FBA] =	sst s2  }
0x8f: {  	_ = 	snop  }
0x90: {  	(tm) =	ssettm $0x1  }
0x91: {  	s17 =	sld [smem:$0x3FFB];
	_ =	sdelay $0x3  }
0x92: {  	_ =	strace s17  }
0x93: {  	s2 =	sld [smem:$0x3FFC];
	_ =	sdelay $0x3  }
0x94: {  	_ =	strace s2  }
0x95: {  	s2 =	sld [smem:$0x3FFD];
	_ =	sdelay $0x3  }
0x96: {  	_ =	strace s2  }
0x97: {  	_ =	strace $0x8FFFFFFF  }
0x98: {  	s18 =	sld [smem:$0x3FDB];
	_ =	sdelay $0x1  }
0x99: {  	s19 =	simm.s32 $_scs_section_size  }
0x9a: {  	s4 =	simm.s32 $_size__tile_overlayer_lowered;
	s5 =	simm.s32 $_tile_overlayer_lowered  }
0x9b: {  	s22 =	simm.s32 $0x1BFF;
	s21 =	sshll.u32 s5, $0x1;
	s2 =	sadd.s32 s19, s18  }
0x9c: {  	s6 =	simm.s32 $0x0;
	s20 =	sshll.u32 s4, $0x1;
	s4 =	sadd.s32 s21, s2  }
0x9d: {  	[timem:s6], [sflag:s22] =	dma.local [hbm:s4], s20  }
0x9e: {  	_ =	swait.ge [sflag:s22], s20  }
0x9f: {  	s3 =	ssub.s32 $0x0, s20;
	[sflag:s22] =	ssyncset.done $0x0  }
0xa0: {  	[sflag:s22] =	ssyncadd.s32 s3;
	_ =	sdelay $0x1  }
0xa1: {  	s23 =	simm.s32 $0x1B8B  }
0xa2: {  	_ =	swait.ge [sflag:s23], $0x1  }
0xa3: {  	[sflag:s23] =	ssyncset.done $0x0  }
0xa4: {  	s25 =	simm.s32 $0x1B8E;
	s24 =	sld [smem:$0x3FFE];
	[sflag:s23] =	ssyncadd.s32 $0xFFFFFFFF  }
0xa5: {  	s26 =	simm.s32 $execute0_lowered;
	[smem:$0x3FD2] =	sst s25  }
0xa6: {  	s4 =	sshll.u32 s26, $0x1;
	_ =	strace $0x80000046;
	[dreg:$0x1] =	wrdreg $0xFFFFFFFF  }
0xa7: {  	s28 =	simm.s32 $_size_execute0_lowered;
	s2 =	sadd.s32 s2, s4;
	[dreg:$0x0] =	wrdreg $0x0  }
0xa8: {  	s4 =	sshll.u32 s28, $0x1;
	[dreg:$0x2] =	wrdreg s2  }
0xa9: {  	[dreg:$0x3] =	wrdreg s4  }
0xaa: {  	[dreg:$0x4] =	wrdreg $0xC0  }
0xab: {  	_ =	task [dreg:s6], $0x5FFFF  }
0xac: {  	[dreg:$0x1] =	wrdreg $0xFFFFFFFF  }
0xad: {  	[dreg:$0x0] =	wrdreg $0x60  }
0xae: {  	[dreg:$0x2] =	wrdreg s24  }
0xaf: {  	[dreg:$0x3] =	wrdreg $0x9  }
0xb0: {  	_ =	task.clear_ibuf [dreg:s6], $0x4FFFF;
	_ =	strace $0x90000046  }
0xb1: {  	s29 =	simm.s32 $0x9;
	_ =	strace $0x80000048  }
0xb2: {  	_ =	swait.ge [sflag:s29], $0x1  }
0xb3: {  	[sflag:s29] =	ssyncadd.s32 $0xFFFFFFFF  }
0xb4: {  	_ =	strace $0x90000048  }
0xb5: {  	_ =	sfence  }
0xb6: {  	s30 =	sld [smem:$0x0];
	_ =	sdelay $0x2  }
0xb7: {  	s31 =	sshll.u32 s1, $0xD;
	s1 =	sshrl.u32 s1, $0x2  }
0xb8: {  	s3 =	sand.u32 $0x4000, s31;
	s1 =	sadd.s32 s1, s30  }
0xb9: {  	s0 =	sor.u32 s3, s0;
	s1 =	sshll.u32 s1, $0x11  }
0xba: {  	s0 =	sor.u32 s1, s0  }
0xbb: {  	s0 =	sadd.s32 $0x8F2B, s0  }
0xbc: {  	[sflag:s0] =	ssyncadd.remote.s32 $0x1  }
0xbd: {  	_ =	sfence.sel $0xFFFF  }
0xbe: {  	[dreg:$0x0] =	wrdreg $0xFFFFFFFF;
	(pc) =	sbr.abs _section_cstart, $3  }
0xbf: {  	[dreg:$0x1] =	wrdreg $0xFFFFFFFF  }
0xc0: {  	_ =	task.clear_ibuf [dreg:s6], $0x2FFFF;
	_ =	strace $0x9FFFFFFF  }
0xc1: {  	(tm) =	ssettm $0x7FFFFFFF  }
tec
execute0_lowered:
.L_overlay_start_1:
0x0: {  	(tag) =	ssettag $0x1  }
0x1: {  	s1 =	srdreg.scid;
	s0 =	stileid.u32  }
0x2: {  	s28 =	sand.u32 $0x1, s1;
	s31 =	sshll.u32 s0, $0x1  }
0x3: {  	s29 =	sor.u32 s28, s31  }
0x4: {  	s26 =	rddreg [dreg:$0x0];
	s3 =	smul.u32 $0xA0, s29  }
0x5: {  	s2 =	simm.s32 $0x0;
	s1 =	rddreg [dreg:$0x1]  }
0x6: {  	[smem:$0x7FF] =	sst s2;
	s3 =	sadd.s32 s3, s26  }
0x7: {  	_ =	strace $0x80000047;
	s4 =	sadd.s32 $0x2400, s3;
	s3 =	simm.s32 $0x2  }
0x8: {  	[tilespmem:s2], [sflag:$0x2] =	stream.linear.gather [hbm4b:s4+s2], $0x500, $0x38;
	[tilespmem:$0x5500] =	vst v63  }
0x9: {  	_ =	swait.ge [sflag:s3], $0x500  }
0xa: {  	s6 =	simm.s32 $0x80;
	[sflag:s3] =	ssyncset.done $0x0  }
0xb: {  	s7 =	simm.s32 $0x500;
	s5 =	sadd.s32 $0x3800, s26;
	[sflag:s3] =	ssyncadd.s32 $0xFFFFFB00  }
0xc: {  	[tilespmem:s7], [sflag:$0x1] =	stream.indirect.gather [hbm4b:s5+s6], $0x10, s2, s6, $0xb8;
	[tilespmem:$0x5500] =	vst v63  }
0xd: {  	s8 =	simm.s32 $0xD00  }
0xe: {  	[tilespmem:s8], [sflag:$0x1] =	stream.indirect.gather [hbm4b:s5+s6], $0x10, s6, s6, $0xb8;
	[tilespmem:$0x5500] =	vst v63  }
0xf: {  	s9 =	simm.s32 $0x100;
	s10 =	simm.s32 $0x1500  }
0x10: {  	[tilespmem:s10], [sflag:$0x1] =	stream.indirect.gather [hbm4b:s5+s6], $0x10, s9, s6, $0xb8;
	[tilespmem:$0x5500] =	vst v63  }
0x11: {  	s11 =	simm.s32 $0x180;
	s12 =	simm.s32 $0x1D00  }
0x12: {  	[tilespmem:s12], [sflag:$0x1] =	stream.indirect.gather [hbm4b:s5+s6], $0x10, s11, s6, $0xb8;
	[tilespmem:$0x5500] =	vst v63  }
0x13: {  	s13 =	simm.s32 $0x200;
	s14 =	simm.s32 $0x2500  }
0x14: {  	[tilespmem:s14], [sflag:$0x1] =	stream.indirect.gather [hbm4b:s5+s6], $0x10, s13, s6, $0xb8;
	[tilespmem:$0x5500] =	vst v63  }
0x15: {  	s15 =	simm.s32 $0x280;
	s16 =	simm.s32 $0x2D00  }
0x16: {  	[tilespmem:s16], [sflag:$0x1] =	stream.indirect.gather [hbm4b:s5+s6], $0x10, s15, s6, $0xb8;
	[tilespmem:$0x5500] =	vst v63  }
0x17: {  	s17 =	simm.s32 $0x300;
	s18 =	simm.s32 $0x3500  }
0x18: {  	[tilespmem:s18], [sflag:$0x1] =	stream.indirect.gather [hbm4b:s5+s6], $0x10, s17, s6, $0xb8;
	[tilespmem:$0x5500] =	vst v63  }
0x19: {  	s19 =	simm.s32 $0x380;
	s20 =	simm.s32 $0x3D00  }
0x1a: {  	[tilespmem:s20], [sflag:$0x1] =	stream.indirect.gather [hbm4b:s5+s6], $0x10, s19, s6, $0xb8;
	[tilespmem:$0x5500] =	vst v63  }
0x1b: {  	s21 =	simm.s32 $0x400;
	s22 =	simm.s32 $0x4500  }
0x1c: {  	[tilespmem:s22], [sflag:$0x1] =	stream.indirect.gather [hbm4b:s5+s6], $0x10, s21, s6, $0xb8;
	[tilespmem:$0x5500] =	vst v63  }
0x1d: {  	s23 =	simm.s32 $0x480;
	s24 =	simm.s32 $0x4D00;
	s25 =	simm.s32 $0x1  }
0x1e: {  	[tilespmem:s24], [sflag:$0x1] =	stream.indirect.gather [hbm4b:s5+s6], $0x10, s23, s6, $0xb8;
	[tilespmem:$0x5500] =	vst v63  }
0x1f: {  	_ =	swait.ge [sflag:s25], $0x800  }
0x20: {  	[sflag:s25] =	ssyncset.done $0x0  }
0x21: {  	[sflag:s25] =	ssyncadd.s32 $0xFFFFF800  }
0x22: {  	_ =	swait.ge [sflag:s25], $0x800  }
0x23: {  	[sflag:s25] =	ssyncset.done $0x0  }
0x24: {  	[sflag:s25] =	ssyncadd.s32 $0xFFFFF800  }
0x25: {  	_ =	swait.ge [sflag:s25], $0x800  }
0x26: {  	[sflag:s25] =	ssyncset.done $0x0  }
0x27: {  	[sflag:s25] =	ssyncadd.s32 $0xFFFFF800  }
0x28: {  	_ =	swait.ge [sflag:s25], $0x800  }
0x29: {  	[sflag:s25] =	ssyncset.done $0x0  }
0x2a: {  	[sflag:s25] =	ssyncadd.s32 $0xFFFFF800  }
0x2b: {  	_ =	swait.ge [sflag:s25], $0x800  }
0x2c: {  	[sflag:s25] =	ssyncset.done $0x0  }
0x2d: {  	[sflag:s25] =	ssyncadd.s32 $0xFFFFF800  }
0x2e: {  	_ =	swait.ge [sflag:s25], $0x800  }
0x2f: {  	[sflag:s25] =	ssyncset.done $0x0  }
0x30: {  	[sflag:s25] =	ssyncadd.s32 $0xFFFFF800  }
0x31: {  	_ =	swait.ge [sflag:s25], $0x800  }
0x32: {  	[sflag:s25] =	ssyncset.done $0x0  }
0x33: {  	[sflag:s25] =	ssyncadd.s32 $0xFFFFF800  }
0x34: {  	_ =	swait.ge [sflag:s25], $0x800  }
0x35: {  	[sflag:s25] =	ssyncset.done $0x0  }
0x36: {  	s28 =	ssub.s32 $0x2, s28;
	[sflag:s25] =	ssyncadd.s32 $0xFFFFF800  }
0x37: {  	s30 =	sshrl.u32 s28, $0x1;
	_ =	swait.ge [sflag:s25], $0x800  }
0x38: {  	s28 =	ssub.s32 s28, s30;
	[sflag:s25] =	ssyncset.done $0x0  }
0x39: {  	s29 =	smul.u32 $0xA00, s29;
	s28 =	smax.u32 s28, $0x1;
	[sflag:s25] =	ssyncadd.s32 $0xFFFFF800  }
0x3a: {  	p0 =	sne.s32 s28, $0x1;
	_ =	swait.ge [sflag:s25], $0x800  }
.Ltmp0:
0x3b: {  	s26 =	sadd.s32 s29, s26;
	[sflag:s25] =	ssyncset.done $0x0;
	(pc) =	sbr.rel @!p0 .LBB2_2-.Ltmp0, $4  }
0x3c: {  	s26 =	sadd.s32 $0x8800, s26;
	[sflag:s25] =	ssyncadd.s32 $0xFFFFF800  }
0x3d: {  	[hbm4b:s26+s2] =	stream.linear.scatter [tilespmem:s7], [sflag:$0x2], $0x5000, $0x38;
	[tilespmem:$0x5500] =	vst v63  }
0x3e: {  	_ =	swait.ge [sflag:s3], $0x5000  }
0x3f: {  	s28 =	sadd.s32 $0xFFFFFFFF, s28;
	[sflag:s3] =	ssyncset.done $0x0  }
.LBB2_1:
0x40: {  	p0 =	sne.s32 s28, $0x1;
	s28 =	sadd.s32 $0xFFFFFFFF, s28;
	[sflag:s3] =	ssyncadd.s32 $0xFFFFB000  }
0x41: {  	[tilespmem:s2], [sflag:$0x2] =	stream.linear.gather [hbm4b:s4+s2], $0x500, $0x38;
	[tilespmem:$0x5500] =	vst v63  }
0x42: {  	_ =	swait.ge [sflag:s3], $0x500  }
0x43: {  	[sflag:s3] =	ssyncset.done $0x0  }
0x44: {  	[sflag:s3] =	ssyncadd.s32 $0xFFFFFB00  }
0x45: {  	[tilespmem:s7], [sflag:$0x1] =	stream.indirect.gather [hbm4b:s5+s6], $0x10, s2, s6, $0xb8;
	[tilespmem:$0x5500] =	vst v63  }
0x46: {  	_ = 	snop  }
0x47: {  	[tilespmem:s8], [sflag:$0x1] =	stream.indirect.gather [hbm4b:s5+s6], $0x10, s6, s6, $0xb8;
	[tilespmem:$0x5500] =	vst v63  }
0x48: {  	_ = 	snop  }
0x49: {  	[tilespmem:s10], [sflag:$0x1] =	stream.indirect.gather [hbm4b:s5+s6], $0x10, s9, s6, $0xb8;
	[tilespmem:$0x5500] =	vst v63  }
0x4a: {  	_ = 	snop  }
0x4b: {  	[tilespmem:s12], [sflag:$0x1] =	stream.indirect.gather [hbm4b:s5+s6], $0x10, s11, s6, $0xb8;
	[tilespmem:$0x5500] =	vst v63  }
0x4c: {  	_ = 	snop  }
0x4d: {  	[tilespmem:s14], [sflag:$0x1] =	stream.indirect.gather [hbm4b:s5+s6], $0x10, s13, s6, $0xb8;
	[tilespmem:$0x5500] =	vst v63  }
0x4e: {  	_ = 	snop  }
0x4f: {  	[tilespmem:s16], [sflag:$0x1] =	stream.indirect.gather [hbm4b:s5+s6], $0x10, s15, s6, $0xb8;
	[tilespmem:$0x5500] =	vst v63  }
0x50: {  	_ = 	snop  }
0x51: {  	[tilespmem:s18], [sflag:$0x1] =	stream.indirect.gather [hbm4b:s5+s6], $0x10, s17, s6, $0xb8;
	[tilespmem:$0x5500] =	vst v63  }
0x52: {  	_ = 	snop  }
0x53: {  	[tilespmem:s20], [sflag:$0x1] =	stream.indirect.gather [hbm4b:s5+s6], $0x10, s19, s6, $0xb8;
	[tilespmem:$0x5500] =	vst v63  }
0x54: {  	_ = 	snop  }
0x55: {  	[tilespmem:s22], [sflag:$0x1] =	stream.indirect.gather [hbm4b:s5+s6], $0x10, s21, s6, $0xb8;
	[tilespmem:$0x5500] =	vst v63  }
0x56: {  	_ = 	snop  }
0x57: {  	[tilespmem:s24], [sflag:$0x1] =	stream.indirect.gather [hbm4b:s5+s6], $0x10, s23, s6, $0xb8;
	[tilespmem:$0x5500] =	vst v63  }
0x58: {  	_ =	swait.ge [sflag:s25], $0x800  }
0x59: {  	[sflag:s25] =	ssyncset.done $0x0  }
0x5a: {  	[sflag:s25] =	ssyncadd.s32 $0xFFFFF800  }
0x5b: {  	_ =	swait.ge [sflag:s25], $0x800  }
0x5c: {  	[sflag:s25] =	ssyncset.done $0x0  }
0x5d: {  	[sflag:s25] =	ssyncadd.s32 $0xFFFFF800  }
0x5e: {  	_ =	swait.ge [sflag:s25], $0x800  }
0x5f: {  	[sflag:s25] =	ssyncset.done $0x0  }
0x60: {  	[sflag:s25] =	ssyncadd.s32 $0xFFFFF800  }
0x61: {  	_ =	swait.ge [sflag:s25], $0x800  }
0x62: {  	[sflag:s25] =	ssyncset.done $0x0  }
0x63: {  	[sflag:s25] =	ssyncadd.s32 $0xFFFFF800  }
0x64: {  	_ =	swait.ge [sflag:s25], $0x800  }
0x65: {  	[sflag:s25] =	ssyncset.done $0x0  }
0x66: {  	[sflag:s25] =	ssyncadd.s32 $0xFFFFF800  }
0x67: {  	_ =	swait.ge [sflag:s25], $0x800  }
0x68: {  	[sflag:s25] =	ssyncset.done $0x0  }
0x69: {  	[sflag:s25] =	ssyncadd.s32 $0xFFFFF800  }
0x6a: {  	_ =	swait.ge [sflag:s25], $0x800  }
0x6b: {  	[sflag:s25] =	ssyncset.done $0x0  }
0x6c: {  	[sflag:s25] =	ssyncadd.s32 $0xFFFFF800  }
0x6d: {  	_ =	swait.ge [sflag:s25], $0x800  }
0x6e: {  	[sflag:s25] =	ssyncset.done $0x0  }
0x6f: {  	[sflag:s25] =	ssyncadd.s32 $0xFFFFF800  }
0x70: {  	_ =	swait.ge [sflag:s25], $0x800  }
0x71: {  	[sflag:s25] =	ssyncset.done $0x0  }
0x72: {  	[sflag:s25] =	ssyncadd.s32 $0xFFFFF800  }
0x73: {  	_ =	swait.ge [sflag:s25], $0x800  }
.Ltmp1:
0x74: {  	[sflag:s25] =	ssyncset.done $0x0;
	(pc) =	sbr.rel @p0 .LBB2_1-.Ltmp1, $4  }
0x75: {  	[sflag:s25] =	ssyncadd.s32 $0xFFFFF800  }
0x76: {  	[hbm4b:s26+s2] =	stream.linear.scatter [tilespmem:s7], [sflag:$0x2], $0x5000, $0x38;
	[tilespmem:$0x5500] =	vst v63  }
0x77: {  	_ =	swait.ge [sflag:s3], $0x5000  }
0x78: {  	[sflag:s3] =	ssyncset.done $0x0  }
.LBB2_2:
0x79: {  	[sflag:s3] =	ssyncadd.s32 $0xFFFFB000  }
0x7a: {  	_ =	sfence.sel $0x180000  }
0x7b: {  	[bflag:$0x0] =	sbarrier.arrive $0xFFFF  }
0x7c: {  	p0 =	sne.s32 s0, $0x0;
	_ =	strace $0x90000047  }
0x7d: {  	s0 =	sadd.s32 @!p0 $0x100000, s1;
	[bflag:$0x2] =	sbarrier.arrive $0xFFFF  }
0x7e: {  	[sflag:s0] =	ssyncadd.tile.s32 @!p0 $0x1;
	_ =	shalt  }
.Lfunc_end2:
_tile_overlayer_lowered:
.L_overlay_start_2:
0x7f: {  	(tag) =	ssettag $0x2  }
0x80: {  	s0 =	rddreg [dreg:$0x0];
	s2 =	stileid.u32  }
0x81: {  	s1 =	rddreg [dreg:$0x1];
	p0 =	sne.s32 s2, $0x0  }
0x82: {  	s3 =	rddreg [dreg:$0x2];
	[bflag:$0x3] =	sbarrier.arrive $0xFFFF;
	s2 =	simm.s32 @!p0 $0x1C02  }
0x83: {  	[timem:s3], [sflag:s2] =	dma.local @!p0 [hbm:s0], s1  }
0x84: {  	s0 =	simm.s32 @!p0 $0x2  }
0x85: {  	_ =	swait.ge @!p0 [sflag:s0], s1  }
0x86: {  	s1 =	ssub.s32 @!p0 $0x0, s1;
	[sflag:s0] =	ssyncset.done @!p0 $0x0  }
0x87: {  	[sflag:s0] =	ssyncadd.s32 @!p0 s1  }
0x88: {  	[bflag:$0x3] =	sbarrier.arrive $0xFFFF  }
0x89: {  	_ =	shalt  }

</sc_bundles>
